<compile_context>
chip_gen: v7x
topology: tpu7x:2x2x1
jax: 0.10.2.dev20260603
libtpu: 0.0.44.dev20260713+nightly
codegen_flags: <defaults>
</compile_context>

<pallas_src>
import functools

import jax
import jax.numpy as jnp
from jax import lax
from jax.experimental import pallas as pl
from jax.experimental.pallas import tpu as pltpu
from jax.experimental.pallas import tpu_sc as plsc

_R = 32
_C = 1000000
_SEG_COLS = 124928
_TAIL_BASE = 8 * _SEG_COLS
_TAIL_COLS = _C - _TAIL_BASE
_CHUNK_COLS = 7808
_NCHUNK = _SEG_COLS // _CHUNK_COLS
_NBUF = 2
_LOOK = _NBUF - 1


def _make_copy():
    mesh = plsc.VectorSubcoreMesh(core_axis_name="c", subcore_axis_name="s")

    @functools.partial(
        pl.kernel,
        mesh=mesh,
        out_type=jax.ShapeDtypeStruct((_R, _C), jnp.float32),
        scratch_types=(
            [pltpu.VMEM((8, _CHUNK_COLS), jnp.float32) for _ in range(_NBUF)]
            + [pltpu.VMEM((8, _TAIL_COLS), jnp.float32),
               pltpu.SemaphoreType.DMA((_NBUF,)),
               pltpu.SemaphoreType.DMA((_NBUF,)),
               pltpu.SemaphoreType.DMA]
        ),
    )
    def copy_k(src, dst, *rest):
        bufs = rest[:_NBUF]
        tail_buf, in_sems, out_sems, tail_sem = rest[_NBUF:]
        wid = lax.axis_index("s") * 2 + lax.axis_index("c")
        grp = lax.rem(wid, 4)
        seg = lax.div(wid, 4)
        row0 = pl.multiple_of(grp * 8, 8)
        col0 = pl.multiple_of(seg * _SEG_COLS, 128)
        rows = pl.ds(row0, 8)

        def in_copy(i, s):
            sl = pl.ds(col0 + i * _CHUNK_COLS, _CHUNK_COLS)
            return pltpu.make_async_copy(src.at[rows, sl], bufs[s], in_sems.at[s])

        def out_copy(i, s):
            sl = pl.ds(col0 + i * _CHUNK_COLS, _CHUNK_COLS)
            return pltpu.make_async_copy(bufs[s], dst.at[rows, sl], out_sems.at[s])

        for i in range(_LOOK):
            in_copy(i, i % _NBUF).start()
        for i in range(_NCHUNK):
            s = i % _NBUF
            in_copy(i, s).wait()
            out_copy(i, s).start()
            nxt = i + _LOOK
            if nxt < _NCHUNK:
                prev = nxt - _NBUF
                if prev >= 0:
                    out_copy(prev, prev % _NBUF).wait()
                in_copy(nxt, nxt % _NBUF).start()
        for i in range(max(0, _NCHUNK - _NBUF), _NCHUNK):
            out_copy(i, i % _NBUF).wait()

        @pl.when(seg == 0)
        def _tail():
            sl = pl.ds(_TAIL_BASE, _TAIL_COLS)
            cin = pltpu.make_async_copy(src.at[rows, sl], tail_buf, tail_sem)
            cin.start()
            cin.wait()
            cout = pltpu.make_async_copy(tail_buf, dst.at[rows, sl], tail_sem)
            cout.start()
            cout.wait()

    return copy_k


_copy = _make_copy()


def kernel(features, labels, centers):
    del features, labels
    return _copy(centers.T).T

# --- scband reference (transcript-rebuilt; emitter-appended) ---
"""Pipeline reference for scband-contrastive-c-loss-20066087207088 (READ-ONLY COPY).

The authoritative reference and input builder live on the scoring server;
editing this copy changes nothing except your own understanding.
"""

import jax, jax.numpy as jnp
import numpy as np

CLASSES = 1000000
EMBED_DIM = 32
BATCH = 4096


def setup_inputs(seed: int = 0) -> dict:
    key = jax.random.key(seed)
    k1, k2, k3 = jax.random.split(key, 3)
    features = jax.random.normal(k1, (BATCH, EMBED_DIM), dtype=jnp.float32)
    labels = jax.random.randint(k2, (BATCH,), 0, CLASSES, dtype=jnp.int64)
    # learned parameter: centers, shape (classes, input_shape[0][1]) per build()
    centers = jax.random.normal(k3, (CLASSES, EMBED_DIM), dtype=jnp.float32) * 0.05
    return {"features": features, "labels": labels, "centers": centers}


def reference(features, labels, centers):
    # Faithful translation of contrastive_c_loss.call: the layer ignores the
    # input tensors at call time and simply returns its learned centers matrix
    # (shape (classes, feature_dim)). The inputs only determine the build shape.
    return centers

if __name__ == "__main__":
    import jax
    _d = setup_inputs()
    print(jax.jit(kernel)(*tuple(_d.values())))

</pallas_src>

<mosaic_0001>
#map = affine_map<(d0, d1) -> (0, 0)>
module attributes {stable_mosaic.version = 14 : i64} {
  func.func @copy_k(%arg0: i32, %arg1: i32, %arg2: memref<32x1000000xf32, #tpu.memory_space<hbm>>, %arg3: memref<32x1000000xf32, #tpu.memory_space<hbm>>, %arg4: memref<8x7808xf32, #tpu.memory_space<vmem>>, %arg5: memref<8x7808xf32, #tpu.memory_space<vmem>>, %arg6: memref<8x576xf32, #tpu.memory_space<vmem>>, %arg7: memref<2x!tpu.dma_semaphore, #tpu.memory_space<semaphore_mem>>, %arg8: memref<2x!tpu.dma_semaphore, #tpu.memory_space<semaphore_mem>>, %arg9: memref<!tpu.dma_semaphore, #tpu.memory_space<semaphore_mem>>) attributes {dimension_semantics = [#tpu.dimension_semantics<core_parallel>, #tpu.dimension_semantics<subcore_parallel>], iteration_bounds = array<i64: 2, 16>, scalar_prefetch = 0 : i64, scratch_operands = 6 : i64, tpu.core_type = #tpu.core_type<sc_vector_subcore>, window_params = [{transform_indices = #map}, {transform_indices = #map}]} {
    %mul3A = arith.constant 2 : i32
    %mul3A_0 = arith.muli %arg1, %mul3A : i32
    %add3A = arith.addi %mul3A_0, %arg0 : i32
    %rem3A = arith.constant 4 : i32
    %rem3A_1 = arith.remsi %add3A, %rem3A : i32
    %div3A = arith.constant 4 : i32
    %div3A_2 = arith.divsi %add3A, %div3A : i32
    %mul3A_3 = arith.constant 8 : i32
    %mul3A_4 = arith.muli %rem3A_1, %mul3A_3 : i32
    %multiple_of3A = tpu.assume_multiple %mul3A_4, 8 : i32
    %mul3A_5 = arith.constant 124928 : i32
    %mul3A_6 = arith.muli %div3A_2, %mul3A_5 : i32
    %multiple_of3A_7 = tpu.assume_multiple %mul3A_6, 128 : i32
    %add3A_8 = arith.constant 0 : i32
    %add3A_9 = arith.addi %multiple_of3A_7, %add3A_8 : i32
    %dma_start3A = arith.constant 0 : i32
    %dma_start3A_10 = tpu.memref_slice %arg2[%multiple_of3A, %add3A_9] : memref<32x1000000xf32, #tpu.memory_space<hbm>> -> memref<8x7808xf32, #tpu.memory_space<hbm>>
    %dma_start3A_11 = tpu.memref_slice %arg7[%dma_start3A] : memref<2x!tpu.dma_semaphore, #tpu.memory_space<semaphore_mem>> -> memref<1x!tpu.dma_semaphore, #tpu.memory_space<semaphore_mem>>
    %dma_start3A_12 = tpu.memref_squeeze %dma_start3A_11 : memref<1x!tpu.dma_semaphore, #tpu.memory_space<semaphore_mem>> -> memref<!tpu.dma_semaphore, #tpu.memory_space<semaphore_mem>>
    %dma_start3A_13 = tpu.memref_slice %arg2[%multiple_of3A, %add3A_9] : memref<32x1000000xf32, #tpu.memory_space<hbm>> -> memref<8x7808xf32, #tpu.memory_space<hbm>>
    tpu.enqueue_dma source(%dma_start3A_13 : memref<8x7808xf32, #tpu.memory_space<hbm>>) target(%arg4 : memref<8x7808xf32, #tpu.memory_space<vmem>>) target_semaphore(%dma_start3A_12 : memref<!tpu.dma_semaphore, #tpu.memory_space<semaphore_mem>>)
    %add3A_14 = arith.constant 0 : i32
    %add3A_15 = arith.addi %multiple_of3A_7, %add3A_14 : i32
    %dma_wait3A = arith.constant 0 : i32
    %dma_wait3A_16 = tpu.memref_slice %arg2[%multiple_of3A, %add3A_15] : memref<32x1000000xf32, #tpu.memory_space<hbm>> -> memref<8x7808xf32, #tpu.memory_space<hbm>>
    %dma_wait3A_17 = tpu.memref_slice %arg7[%dma_wait3A] : memref<2x!tpu.dma_semaphore, #tpu.memory_space<semaphore_mem>> -> memref<1x!tpu.dma_semaphore, #tpu.memory_space<semaphore_mem>>
    %dma_wait3A_18 = tpu.memref_squeeze %dma_wait3A_17 : memref<1x!tpu.dma_semaphore, #tpu.memory_space<semaphore_mem>> -> memref<!tpu.dma_semaphore, #tpu.memory_space<semaphore_mem>>
    %dma_wait3A_19 = tpu.memref_slice %arg2[%multiple_of3A, %add3A_15] : memref<32x1000000xf32, #tpu.memory_space<hbm>> -> memref<8x7808xf32, #tpu.memory_space<hbm>>
    tpu.wait_dma2 semaphore(%dma_wait3A_18 : memref<!tpu.dma_semaphore, #tpu.memory_space<semaphore_mem>>) src(%dma_wait3A_19 : memref<8x7808xf32, #tpu.memory_space<hbm>>) dst(%arg4 : memref<8x7808xf32, #tpu.memory_space<vmem>>)
    %add3A_20 = arith.constant 0 : i32
    %add3A_21 = arith.addi %multiple_of3A_7, %add3A_20 : i32
    %dma_start3A_22 = arith.constant 0 : i32
    %dma_start3A_23 = tpu.memref_slice %arg3[%multiple_of3A, %add3A_21] : memref<32x1000000xf32, #tpu.memory_space<hbm>> -> memref<8x7808xf32, #tpu.memory_space<hbm>>
    %dma_start3A_24 = tpu.memref_slice %arg8[%dma_start3A_22] : memref<2x!tpu.dma_semaphore, #tpu.memory_space<semaphore_mem>> -> memref<1x!tpu.dma_semaphore, #tpu.memory_space<semaphore_mem>>
    %dma_start3A_25 = tpu.memref_squeeze %dma_start3A_24 : memref<1x!tpu.dma_semaphore, #tpu.memory_space<semaphore_mem>> -> memref<!tpu.dma_semaphore, #tpu.memory_space<semaphore_mem>>
    %dma_start3A_26 = tpu.memref_slice %arg3[%multiple_of3A, %add3A_21] : memref<32x1000000xf32, #tpu.memory_space<hbm>> -> memref<8x7808xf32, #tpu.memory_space<hbm>>
    tpu.enqueue_dma source(%arg4 : memref<8x7808xf32, #tpu.memory_space<vmem>>) target(%dma_start3A_26 : memref<8x7808xf32, #tpu.memory_space<hbm>>) target_semaphore(%dma_start3A_25 : memref<!tpu.dma_semaphore, #tpu.memory_space<semaphore_mem>>)
    %add3A_27 = arith.constant 7808 : i32
    %add3A_28 = arith.addi %multiple_of3A_7, %add3A_27 : i32
    %dma_start3A_29 = arith.constant 1 : i32
    %dma_start3A_30 = tpu.memref_slice %arg2[%multiple_of3A, %add3A_28] : memref<32x1000000xf32, #tpu.memory_space<hbm>> -> memref<8x7808xf32, #tpu.memory_space<hbm>>
    %dma_start3A_31 = tpu.memref_slice %arg7[%dma_start3A_29] : memref<2x!tpu.dma_semaphore, #tpu.memory_space<semaphore_mem>> -> memref<1x!tpu.dma_semaphore, #tpu.memory_space<semaphore_mem>>
    %dma_start3A_32 = tpu.memref_squeeze %dma_start3A_31 : memref<1x!tpu.dma_semaphore, #tpu.memory_space<semaphore_mem>> -> memref<!tpu.dma_semaphore, #tpu.memory_space<semaphore_mem>>
    %dma_start3A_33 = tpu.memref_slice %arg2[%multiple_of3A, %add3A_28] : memref<32x1000000xf32, #tpu.memory_space<hbm>> -> memref<8x7808xf32, #tpu.memory_space<hbm>>
    tpu.enqueue_dma source(%dma_start3A_33 : memref<8x7808xf32, #tpu.memory_space<hbm>>) target(%arg5 : memref<8x7808xf32, #tpu.memory_space<vmem>>) target_semaphore(%dma_start3A_32 : memref<!tpu.dma_semaphore, #tpu.memory_space<semaphore_mem>>)
    %add3A_34 = arith.constant 7808 : i32
    %add3A_35 = arith.addi %multiple_of3A_7, %add3A_34 : i32
    %dma_wait3A_36 = arith.constant 1 : i32
    %dma_wait3A_37 = tpu.memref_slice %arg2[%multiple_of3A, %add3A_35] : memref<32x1000000xf32, #tpu.memory_space<hbm>> -> memref<8x7808xf32, #tpu.memory_space<hbm>>
    %dma_wait3A_38 = tpu.memref_slice %arg7[%dma_wait3A_36] : memref<2x!tpu.dma_semaphore, #tpu.memory_space<semaphore_mem>> -> memref<1x!tpu.dma_semaphore, #tpu.memory_space<semaphore_mem>>
    %dma_wait3A_39 = tpu.memref_squeeze %dma_wait3A_38 : memref<1x!tpu.dma_semaphore, #tpu.memory_space<semaphore_mem>> -> memref<!tpu.dma_semaphore, #tpu.memory_space<semaphore_mem>>
    %dma_wait3A_40 = tpu.memref_slice %arg2[%multiple_of3A, %add3A_35] : memref<32x1000000xf32, #tpu.memory_space<hbm>> -> memref<8x7808xf32, #tpu.memory_space<hbm>>
    tpu.wait_dma2 semaphore(%dma_wait3A_39 : memref<!tpu.dma_semaphore, #tpu.memory_space<semaphore_mem>>) src(%dma_wait3A_40 : memref<8x7808xf32, #tpu.memory_space<hbm>>) dst(%arg5 : memref<8x7808xf32, #tpu.memory_space<vmem>>)
    %add3A_41 = arith.constant 7808 : i32
    %add3A_42 = arith.addi %multiple_of3A_7, %add3A_41 : i32
    %dma_start3A_43 = arith.constant 1 : i32
    %dma_start3A_44 = tpu.memref_slice %arg3[%multiple_of3A, %add3A_42] : memref<32x1000000xf32, #tpu.memory_space<hbm>> -> memref<8x7808xf32, #tpu.memory_space<hbm>>
    %dma_start3A_45 = tpu.memref_slice %arg8[%dma_start3A_43] : memref<2x!tpu.dma_semaphore, #tpu.memory_space<semaphore_mem>> -> memref<1x!tpu.dma_semaphore, #tpu.memory_space<semaphore_mem>>
    %dma_start3A_46 = tpu.memref_squeeze %dma_start3A_45 : memref<1x!tpu.dma_semaphore, #tpu.memory_space<semaphore_mem>> -> memref<!tpu.dma_semaphore, #tpu.memory_space<semaphore_mem>>
    %dma_start3A_47 = tpu.memref_slice %arg3[%multiple_of3A, %add3A_42] : memref<32x1000000xf32, #tpu.memory_space<hbm>> -> memref<8x7808xf32, #tpu.memory_space<hbm>>
    tpu.enqueue_dma source(%arg5 : memref<8x7808xf32, #tpu.memory_space<vmem>>) target(%dma_start3A_47 : memref<8x7808xf32, #tpu.memory_space<hbm>>) target_semaphore(%dma_start3A_46 : memref<!tpu.dma_semaphore, #tpu.memory_space<semaphore_mem>>)
    %add3A_48 = arith.constant 0 : i32
    %add3A_49 = arith.addi %multiple_of3A_7, %add3A_48 : i32
    %dma_wait3A_50 = arith.constant 0 : i32
    %dma_wait3A_51 = tpu.memref_slice %arg3[%multiple_of3A, %add3A_49] : memref<32x1000000xf32, #tpu.memory_space<hbm>> -> memref<8x7808xf32, #tpu.memory_space<hbm>>
    %dma_wait3A_52 = tpu.memref_slice %arg8[%dma_wait3A_50] : memref<2x!tpu.dma_semaphore, #tpu.memory_space<semaphore_mem>> -> memref<1x!tpu.dma_semaphore, #tpu.memory_space<semaphore_mem>>
    %dma_wait3A_53 = tpu.memref_squeeze %dma_wait3A_52 : memref<1x!tpu.dma_semaphore, #tpu.memory_space<semaphore_mem>> -> memref<!tpu.dma_semaphore, #tpu.memory_space<semaphore_mem>>
    %dma_wait3A_54 = tpu.memref_slice %arg3[%multiple_of3A, %add3A_49] : memref<32x1000000xf32, #tpu.memory_space<hbm>> -> memref<8x7808xf32, #tpu.memory_space<hbm>>
    tpu.wait_dma2 semaphore(%dma_wait3A_53 : memref<!tpu.dma_semaphore, #tpu.memory_space<semaphore_mem>>) src(%arg4 : memref<8x7808xf32, #tpu.memory_space<vmem>>) dst(%dma_wait3A_54 : memref<8x7808xf32, #tpu.memory_space<hbm>>)
    %add3A_55 = arith.constant 15616 : i32
    %add3A_56 = arith.addi %multiple_of3A_7, %add3A_55 : i32
    %dma_start3A_57 = arith.constant 0 : i32
    %dma_start3A_58 = tpu.memref_slice %arg2[%multiple_of3A, %add3A_56] : memref<32x1000000xf32, #tpu.memory_space<hbm>> -> memref<8x7808xf32, #tpu.memory_space<hbm>>
    %dma_start3A_59 = tpu.memref_slice %arg7[%dma_start3A_57] : memref<2x!tpu.dma_semaphore, #tpu.memory_space<semaphore_mem>> -> memref<1x!tpu.dma_semaphore, #tpu.memory_space<semaphore_mem>>
    %dma_start3A_60 = tpu.memref_squeeze %dma_start3A_59 : memref<1x!tpu.dma_semaphore, #tpu.memory_space<semaphore_mem>> -> memref<!tpu.dma_semaphore, #tpu.memory_space<semaphore_mem>>
    %dma_start3A_61 = tpu.memref_slice %arg2[%multiple_of3A, %add3A_56] : memref<32x1000000xf32, #tpu.memory_space<hbm>> -> memref<8x7808xf32, #tpu.memory_space<hbm>>
    tpu.enqueue_dma source(%dma_start3A_61 : memref<8x7808xf32, #tpu.memory_space<hbm>>) target(%arg4 : memref<8x7808xf32, #tpu.memory_space<vmem>>) target_semaphore(%dma_start3A_60 : memref<!tpu.dma_semaphore, #tpu.memory_space<semaphore_mem>>)
    %add3A_62 = arith.constant 15616 : i32
    %add3A_63 = arith.addi %multiple_of3A_7, %add3A_62 : i32
    %dma_wait3A_64 = arith.constant 0 : i32
    %dma_wait3A_65 = tpu.memref_slice %arg2[%multiple_of3A, %add3A_63] : memref<32x1000000xf32, #tpu.memory_space<hbm>> -> memref<8x7808xf32, #tpu.memory_space<hbm>>
    %dma_wait3A_66 = tpu.memref_slice %arg7[%dma_wait3A_64] : memref<2x!tpu.dma_semaphore, #tpu.memory_space<semaphore_mem>> -> memref<1x!tpu.dma_semaphore, #tpu.memory_space<semaphore_mem>>
    %dma_wait3A_67 = tpu.memref_squeeze %dma_wait3A_66 : memref<1x!tpu.dma_semaphore, #tpu.memory_space<semaphore_mem>> -> memref<!tpu.dma_semaphore, #tpu.memory_space<semaphore_mem>>
    %dma_wait3A_68 = tpu.memref_slice %arg2[%multiple_of3A, %add3A_63] : memref<32x1000000xf32, #tpu.memory_space<hbm>> -> memref<8x7808xf32, #tpu.memory_space<hbm>>
    tpu.wait_dma2 semaphore(%dma_wait3A_67 : memref<!tpu.dma_semaphore, #tpu.memory_space<semaphore_mem>>) src(%dma_wait3A_68 : memref<8x7808xf32, #tpu.memory_space<hbm>>) dst(%arg4 : memref<8x7808xf32, #tpu.memory_space<vmem>>)
    %add3A_69 = arith.constant 15616 : i32
    %add3A_70 = arith.addi %multiple_of3A_7, %add3A_69 : i32
    %dma_start3A_71 = arith.constant 0 : i32
    %dma_start3A_72 = tpu.memref_slice %arg3[%multiple_of3A, %add3A_70] : memref<32x1000000xf32, #tpu.memory_space<hbm>> -> memref<8x7808xf32, #tpu.memory_space<hbm>>
    %dma_start3A_73 = tpu.memref_slice %arg8[%dma_start3A_71] : memref<2x!tpu.dma_semaphore, #tpu.memory_space<semaphore_mem>> -> memref<1x!tpu.dma_semaphore, #tpu.memory_space<semaphore_mem>>
    %dma_start3A_74 = tpu.memref_squeeze %dma_start3A_73 : memref<1x!tpu.dma_semaphore, #tpu.memory_space<semaphore_mem>> -> memref<!tpu.dma_semaphore, #tpu.memory_space<semaphore_mem>>
    %dma_start3A_75 = tpu.memref_slice %arg3[%multiple_of3A, %add3A_70] : memref<32x1000000xf32, #tpu.memory_space<hbm>> -> memref<8x7808xf32, #tpu.memory_space<hbm>>
    tpu.enqueue_dma source(%arg4 : memref<8x7808xf32, #tpu.memory_space<vmem>>) target(%dma_start3A_75 : memref<8x7808xf32, #tpu.memory_space<hbm>>) target_semaphore(%dma_start3A_74 : memref<!tpu.dma_semaphore, #tpu.memory_space<semaphore_mem>>)
    %add3A_76 = arith.constant 7808 : i32
    %add3A_77 = arith.addi %multiple_of3A_7, %add3A_76 : i32
    %dma_wait3A_78 = arith.constant 1 : i32
    %dma_wait3A_79 = tpu.memref_slice %arg3[%multiple_of3A, %add3A_77] : memref<32x1000000xf32, #tpu.memory_space<hbm>> -> memref<8x7808xf32, #tpu.memory_space<hbm>>
    %dma_wait3A_80 = tpu.memref_slice %arg8[%dma_wait3A_78] : memref<2x!tpu.dma_semaphore, #tpu.memory_space<semaphore_mem>> -> memref<1x!tpu.dma_semaphore, #tpu.memory_space<semaphore_mem>>
    %dma_wait3A_81 = tpu.memref_squeeze %dma_wait3A_80 : memref<1x!tpu.dma_semaphore, #tpu.memory_space<semaphore_mem>> -> memref<!tpu.dma_semaphore, #tpu.memory_space<semaphore_mem>>
    %dma_wait3A_82 = tpu.memref_slice %arg3[%multiple_of3A, %add3A_77] : memref<32x1000000xf32, #tpu.memory_space<hbm>> -> memref<8x7808xf32, #tpu.memory_space<hbm>>
    tpu.wait_dma2 semaphore(%dma_wait3A_81 : memref<!tpu.dma_semaphore, #tpu.memory_space<semaphore_mem>>) src(%arg5 : memref<8x7808xf32, #tpu.memory_space<vmem>>) dst(%dma_wait3A_82 : memref<8x7808xf32, #tpu.memory_space<hbm>>)
    %add3A_83 = arith.constant 23424 : i32
    %add3A_84 = arith.addi %multiple_of3A_7, %add3A_83 : i32
    %dma_start3A_85 = arith.constant 1 : i32
    %dma_start3A_86 = tpu.memref_slice %arg2[%multiple_of3A, %add3A_84] : memref<32x1000000xf32, #tpu.memory_space<hbm>> -> memref<8x7808xf32, #tpu.memory_space<hbm>>
    %dma_start3A_87 = tpu.memref_slice %arg7[%dma_start3A_85] : memref<2x!tpu.dma_semaphore, #tpu.memory_space<semaphore_mem>> -> memref<1x!tpu.dma_semaphore, #tpu.memory_space<semaphore_mem>>
    %dma_start3A_88 = tpu.memref_squeeze %dma_start3A_87 : memref<1x!tpu.dma_semaphore, #tpu.memory_space<semaphore_mem>> -> memref<!tpu.dma_semaphore, #tpu.memory_space<semaphore_mem>>
    %dma_start3A_89 = tpu.memref_slice %arg2[%multiple_of3A, %add3A_84] : memref<32x1000000xf32, #tpu.memory_space<hbm>> -> memref<8x7808xf32, #tpu.memory_space<hbm>>
    tpu.enqueue_dma source(%dma_start3A_89 : memref<8x7808xf32, #tpu.memory_space<hbm>>) target(%arg5 : memref<8x7808xf32, #tpu.memory_space<vmem>>) target_semaphore(%dma_start3A_88 : memref<!tpu.dma_semaphore, #tpu.memory_space<semaphore_mem>>)
    %add3A_90 = arith.constant 23424 : i32
    %add3A_91 = arith.addi %multiple_of3A_7, %add3A_90 : i32
    %dma_wait3A_92 = arith.constant 1 : i32
    %dma_wait3A_93 = tpu.memref_slice %arg2[%multiple_of3A, %add3A_91] : memref<32x1000000xf32, #tpu.memory_space<hbm>> -> memref<8x7808xf32, #tpu.memory_space<hbm>>
    %dma_wait3A_94 = tpu.memref_slice %arg7[%dma_wait3A_92] : memref<2x!tpu.dma_semaphore, #tpu.memory_space<semaphore_mem>> -> memref<1x!tpu.dma_semaphore, #tpu.memory_space<semaphore_mem>>
    %dma_wait3A_95 = tpu.memref_squeeze %dma_wait3A_94 : memref<1x!tpu.dma_semaphore, #tpu.memory_space<semaphore_mem>> -> memref<!tpu.dma_semaphore, #tpu.memory_space<semaphore_mem>>
    %dma_wait3A_96 = tpu.memref_slice %arg2[%multiple_of3A, %add3A_91] : memref<32x1000000xf32, #tpu.memory_space<hbm>> -> memref<8x7808xf32, #tpu.memory_space<hbm>>
    tpu.wait_dma2 semaphore(%dma_wait3A_95 : memref<!tpu.dma_semaphore, #tpu.memory_space<semaphore_mem>>) src(%dma_wait3A_96 : memref<8x7808xf32, #tpu.memory_space<hbm>>) dst(%arg5 : memref<8x7808xf32, #tpu.memory_space<vmem>>)
    %add3A_97 = arith.constant 23424 : i32
    %add3A_98 = arith.addi %multiple_of3A_7, %add3A_97 : i32
    %dma_start3A_99 = arith.constant 1 : i32
    %dma_start3A_100 = tpu.memref_slice %arg3[%multiple_of3A, %add3A_98] : memref<32x1000000xf32, #tpu.memory_space<hbm>> -> memref<8x7808xf32, #tpu.memory_space<hbm>>
    %dma_start3A_101 = tpu.memref_slice %arg8[%dma_start3A_99] : memref<2x!tpu.dma_semaphore, #tpu.memory_space<semaphore_mem>> -> memref<1x!tpu.dma_semaphore, #tpu.memory_space<semaphore_mem>>
    %dma_start3A_102 = tpu.memref_squeeze %dma_start3A_101 : memref<1x!tpu.dma_semaphore, #tpu.memory_space<semaphore_mem>> -> memref<!tpu.dma_semaphore, #tpu.memory_space<semaphore_mem>>
    %dma_start3A_103 = tpu.memref_slice %arg3[%multiple_of3A, %add3A_98] : memref<32x1000000xf32, #tpu.memory_space<hbm>> -> memref<8x7808xf32, #tpu.memory_space<hbm>>
    tpu.enqueue_dma source(%arg5 : memref<8x7808xf32, #tpu.memory_space<vmem>>) target(%dma_start3A_103 : memref<8x7808xf32, #tpu.memory_space<hbm>>) target_semaphore(%dma_start3A_102 : memref<!tpu.dma_semaphore, #tpu.memory_space<semaphore_mem>>)
    %add3A_104 = arith.constant 15616 : i32
    %add3A_105 = arith.addi %multiple_of3A_7, %add3A_104 : i32
    %dma_wait3A_106 = arith.constant 0 : i32
    %dma_wait3A_107 = tpu.memref_slice %arg3[%multiple_of3A, %add3A_105] : memref<32x1000000xf32, #tpu.memory_space<hbm>> -> memref<8x7808xf32, #tpu.memory_space<hbm>>
    %dma_wait3A_108 = tpu.memref_slice %arg8[%dma_wait3A_106] : memref<2x!tpu.dma_semaphore, #tpu.memory_space<semaphore_mem>> -> memref<1x!tpu.dma_semaphore, #tpu.memory_space<semaphore_mem>>
    %dma_wait3A_109 = tpu.memref_squeeze %dma_wait3A_108 : memref<1x!tpu.dma_semaphore, #tpu.memory_space<semaphore_mem>> -> memref<!tpu.dma_semaphore, #tpu.memory_space<semaphore_mem>>
    %dma_wait3A_110 = tpu.memref_slice %arg3[%multiple_of3A, %add3A_105] : memref<32x1000000xf32, #tpu.memory_space<hbm>> -> memref<8x7808xf32, #tpu.memory_space<hbm>>
    tpu.wait_dma2 semaphore(%dma_wait3A_109 : memref<!tpu.dma_semaphore, #tpu.memory_space<semaphore_mem>>) src(%arg4 : memref<8x7808xf32, #tpu.memory_space<vmem>>) dst(%dma_wait3A_110 : memref<8x7808xf32, #tpu.memory_space<hbm>>)
    %add3A_111 = arith.constant 31232 : i32
    %add3A_112 = arith.addi %multiple_of3A_7, %add3A_111 : i32
    %dma_start3A_113 = arith.constant 0 : i32
    %dma_start3A_114 = tpu.memref_slice %arg2[%multiple_of3A, %add3A_112] : memref<32x1000000xf32, #tpu.memory_space<hbm>> -> memref<8x7808xf32, #tpu.memory_space<hbm>>
    %dma_start3A_115 = tpu.memref_slice %arg7[%dma_start3A_113] : memref<2x!tpu.dma_semaphore, #tpu.memory_space<semaphore_mem>> -> memref<1x!tpu.dma_semaphore, #tpu.memory_space<semaphore_mem>>
    %dma_start3A_116 = tpu.memref_squeeze %dma_start3A_115 : memref<1x!tpu.dma_semaphore, #tpu.memory_space<semaphore_mem>> -> memref<!tpu.dma_semaphore, #tpu.memory_space<semaphore_mem>>
    %dma_start3A_117 = tpu.memref_slice %arg2[%multiple_of3A, %add3A_112] : memref<32x1000000xf32, #tpu.memory_space<hbm>> -> memref<8x7808xf32, #tpu.memory_space<hbm>>
    tpu.enqueue_dma source(%dma_start3A_117 : memref<8x7808xf32, #tpu.memory_space<hbm>>) target(%arg4 : memref<8x7808xf32, #tpu.memory_space<vmem>>) target_semaphore(%dma_start3A_116 : memref<!tpu.dma_semaphore, #tpu.memory_space<semaphore_mem>>)
    %add3A_118 = arith.constant 31232 : i32
    %add3A_119 = arith.addi %multiple_of3A_7, %add3A_118 : i32
    %dma_wait3A_120 = arith.constant 0 : i32
    %dma_wait3A_121 = tpu.memref_slice %arg2[%multiple_of3A, %add3A_119] : memref<32x1000000xf32, #tpu.memory_space<hbm>> -> memref<8x7808xf32, #tpu.memory_space<hbm>>
    %dma_wait3A_122 = tpu.memref_slice %arg7[%dma_wait3A_120] : memref<2x!tpu.dma_semaphore, #tpu.memory_space<semaphore_mem>> -> memref<1x!tpu.dma_semaphore, #tpu.memory_space<semaphore_mem>>
    %dma_wait3A_123 = tpu.memref_squeeze %dma_wait3A_122 : memref<1x!tpu.dma_semaphore, #tpu.memory_space<semaphore_mem>> -> memref<!tpu.dma_semaphore, #tpu.memory_space<semaphore_mem>>
    %dma_wait3A_124 = tpu.memref_slice %arg2[%multiple_of3A, %add3A_119] : memref<32x1000000xf32, #tpu.memory_space<hbm>> -> memref<8x7808xf32, #tpu.memory_space<hbm>>
    tpu.wait_dma2 semaphore(%dma_wait3A_123 : memref<!tpu.dma_semaphore, #tpu.memory_space<semaphore_mem>>) src(%dma_wait3A_124 : memref<8x7808xf32, #tpu.memory_space<hbm>>) dst(%arg4 : memref<8x7808xf32, #tpu.memory_space<vmem>>)
    %add3A_125 = arith.constant 31232 : i32
    %add3A_126 = arith.addi %multiple_of3A_7, %add3A_125 : i32
    %dma_start3A_127 = arith.constant 0 : i32
    %dma_start3A_128 = tpu.memref_slice %arg3[%multiple_of3A, %add3A_126] : memref<32x1000000xf32, #tpu.memory_space<hbm>> -> memref<8x7808xf32, #tpu.memory_space<hbm>>
    %dma_start3A_129 = tpu.memref_slice %arg8[%dma_start3A_127] : memref<2x!tpu.dma_semaphore, #tpu.memory_space<semaphore_mem>> -> memref<1x!tpu.dma_semaphore, #tpu.memory_space<semaphore_mem>>
    %dma_start3A_130 = tpu.memref_squeeze %dma_start3A_129 : memref<1x!tpu.dma_semaphore, #tpu.memory_space<semaphore_mem>> -> memref<!tpu.dma_semaphore, #tpu.memory_space<semaphore_mem>>
    %dma_start3A_131 = tpu.memref_slice %arg3[%multiple_of3A, %add3A_126] : memref<32x1000000xf32, #tpu.memory_space<hbm>> -> memref<8x7808xf32, #tpu.memory_space<hbm>>
    tpu.enqueue_dma source(%arg4 : memref<8x7808xf32, #tpu.memory_space<vmem>>) target(%dma_start3A_131 : memref<8x7808xf32, #tpu.memory_space<hbm>>) target_semaphore(%dma_start3A_130 : memref<!tpu.dma_semaphore, #tpu.memory_space<semaphore_mem>>)
    %add3A_132 = arith.constant 23424 : i32
    %add3A_133 = arith.addi %multiple_of3A_7, %add3A_132 : i32
    %dma_wait3A_134 = arith.constant 1 : i32
    %dma_wait3A_135 = tpu.memref_slice %arg3[%multiple_of3A, %add3A_133] : memref<32x1000000xf32, #tpu.memory_space<hbm>> -> memref<8x7808xf32, #tpu.memory_space<hbm>>
    %dma_wait3A_136 = tpu.memref_slice %arg8[%dma_wait3A_134] : memref<2x!tpu.dma_semaphore, #tpu.memory_space<semaphore_mem>> -> memref<1x!tpu.dma_semaphore, #tpu.memory_space<semaphore_mem>>
    %dma_wait3A_137 = tpu.memref_squeeze %dma_wait3A_136 : memref<1x!tpu.dma_semaphore, #tpu.memory_space<semaphore_mem>> -> memref<!tpu.dma_semaphore, #tpu.memory_space<semaphore_mem>>
    %dma_wait3A_138 = tpu.memref_slice %arg3[%multiple_of3A, %add3A_133] : memref<32x1000000xf32, #tpu.memory_space<hbm>> -> memref<8x7808xf32, #tpu.memory_space<hbm>>
    tpu.wait_dma2 semaphore(%dma_wait3A_137 : memref<!tpu.dma_semaphore, #tpu.memory_space<semaphore_mem>>) src(%arg5 : memref<8x7808xf32, #tpu.memory_space<vmem>>) dst(%dma_wait3A_138 : memref<8x7808xf32, #tpu.memory_space<hbm>>)
    %add3A_139 = arith.constant 39040 : i32
    %add3A_140 = arith.addi %multiple_of3A_7, %add3A_139 : i32
    %dma_start3A_141 = arith.constant 1 : i32
    %dma_start3A_142 = tpu.memref_slice %arg2[%multiple_of3A, %add3A_140] : memref<32x1000000xf32, #tpu.memory_space<hbm>> -> memref<8x7808xf32, #tpu.memory_space<hbm>>
    %dma_start3A_143 = tpu.memref_slice %arg7[%dma_start3A_141] : memref<2x!tpu.dma_semaphore, #tpu.memory_space<semaphore_mem>> -> memref<1x!tpu.dma_semaphore, #tpu.memory_space<semaphore_mem>>
    %dma_start3A_144 = tpu.memref_squeeze %dma_start3A_143 : memref<1x!tpu.dma_semaphore, #tpu.memory_space<semaphore_mem>> -> memref<!tpu.dma_semaphore, #tpu.memory_space<semaphore_mem>>
    %dma_start3A_145 = tpu.memref_slice %arg2[%multiple_of3A, %add3A_140] : memref<32x1000000xf32, #tpu.memory_space<hbm>> -> memref<8x7808xf32, #tpu.memory_space<hbm>>
    tpu.enqueue_dma source(%dma_start3A_145 : memref<8x7808xf32, #tpu.memory_space<hbm>>) target(%arg5 : memref<8x7808xf32, #tpu.memory_space<vmem>>) target_semaphore(%dma_start3A_144 : memref<!tpu.dma_semaphore, #tpu.memory_space<semaphore_mem>>)
    %add3A_146 = arith.constant 39040 : i32
    %add3A_147 = arith.addi %multiple_of3A_7, %add3A_146 : i32
    %dma_wait3A_148 = arith.constant 1 : i32
    %dma_wait3A_149 = tpu.memref_slice %arg2[%multiple_of3A, %add3A_147] : memref<32x1000000xf32, #tpu.memory_space<hbm>> -> memref<8x7808xf32, #tpu.memory_space<hbm>>
    %dma_wait3A_150 = tpu.memref_slice %arg7[%dma_wait3A_148] : memref<2x!tpu.dma_semaphore, #tpu.memory_space<semaphore_mem>> -> memref<1x!tpu.dma_semaphore, #tpu.memory_space<semaphore_mem>>
    %dma_wait3A_151 = tpu.memref_squeeze %dma_wait3A_150 : memref<1x!tpu.dma_semaphore, #tpu.memory_space<semaphore_mem>> -> memref<!tpu.dma_semaphore, #tpu.memory_space<semaphore_mem>>
    %dma_wait3A_152 = tpu.memref_slice %arg2[%multiple_of3A, %add3A_147] : memref<32x1000000xf32, #tpu.memory_space<hbm>> -> memref<8x7808xf32, #tpu.memory_space<hbm>>
    tpu.wait_dma2 semaphore(%dma_wait3A_151 : memref<!tpu.dma_semaphore, #tpu.memory_space<semaphore_mem>>) src(%dma_wait3A_152 : memref<8x7808xf32, #tpu.memory_space<hbm>>) dst(%arg5 : memref<8x7808xf32, #tpu.memory_space<vmem>>)
    %add3A_153 = arith.constant 39040 : i32
    %add3A_154 = arith.addi %multiple_of3A_7, %add3A_153 : i32
    %dma_start3A_155 = arith.constant 1 : i32
    %dma_start3A_156 = tpu.memref_slice %arg3[%multiple_of3A, %add3A_154] : memref<32x1000000xf32, #tpu.memory_space<hbm>> -> memref<8x7808xf32, #tpu.memory_space<hbm>>
    %dma_start3A_157 = tpu.memref_slice %arg8[%dma_start3A_155] : memref<2x!tpu.dma_semaphore, #tpu.memory_space<semaphore_mem>> -> memref<1x!tpu.dma_semaphore, #tpu.memory_space<semaphore_mem>>
    %dma_start3A_158 = tpu.memref_squeeze %dma_start3A_157 : memref<1x!tpu.dma_semaphore, #tpu.memory_space<semaphore_mem>> -> memref<!tpu.dma_semaphore, #tpu.memory_space<semaphore_mem>>
    %dma_start3A_159 = tpu.memref_slice %arg3[%multiple_of3A, %add3A_154] : memref<32x1000000xf32, #tpu.memory_space<hbm>> -> memref<8x7808xf32, #tpu.memory_space<hbm>>
    tpu.enqueue_dma source(%arg5 : memref<8x7808xf32, #tpu.memory_space<vmem>>) target(%dma_start3A_159 : memref<8x7808xf32, #tpu.memory_space<hbm>>) target_semaphore(%dma_start3A_158 : memref<!tpu.dma_semaphore, #tpu.memory_space<semaphore_mem>>)
    %add3A_160 = arith.constant 31232 : i32
    %add3A_161 = arith.addi %multiple_of3A_7, %add3A_160 : i32
    %dma_wait3A_162 = arith.constant 0 : i32
    %dma_wait3A_163 = tpu.memref_slice %arg3[%multiple_of3A, %add3A_161] : memref<32x1000000xf32, #tpu.memory_space<hbm>> -> memref<8x7808xf32, #tpu.memory_space<hbm>>
    %dma_wait3A_164 = tpu.memref_slice %arg8[%dma_wait3A_162] : memref<2x!tpu.dma_semaphore, #tpu.memory_space<semaphore_mem>> -> memref<1x!tpu.dma_semaphore, #tpu.memory_space<semaphore_mem>>
    %dma_wait3A_165 = tpu.memref_squeeze %dma_wait3A_164 : memref<1x!tpu.dma_semaphore, #tpu.memory_space<semaphore_mem>> -> memref<!tpu.dma_semaphore, #tpu.memory_space<semaphore_mem>>
    %dma_wait3A_166 = tpu.memref_slice %arg3[%multiple_of3A, %add3A_161] : memref<32x1000000xf32, #tpu.memory_space<hbm>> -> memref<8x7808xf32, #tpu.memory_space<hbm>>
    tpu.wait_dma2 semaphore(%dma_wait3A_165 : memref<!tpu.dma_semaphore, #tpu.memory_space<semaphore_mem>>) src(%arg4 : memref<8x7808xf32, #tpu.memory_space<vmem>>) dst(%dma_wait3A_166 : memref<8x7808xf32, #tpu.memory_space<hbm>>)
    %add3A_167 = arith.constant 46848 : i32
    %add3A_168 = arith.addi %multiple_of3A_7, %add3A_167 : i32
    %dma_start3A_169 = arith.constant 0 : i32
    %dma_start3A_170 = tpu.memref_slice %arg2[%multiple_of3A, %add3A_168] : memref<32x1000000xf32, #tpu.memory_space<hbm>> -> memref<8x7808xf32, #tpu.memory_space<hbm>>
    %dma_start3A_171 = tpu.memref_slice %arg7[%dma_start3A_169] : memref<2x!tpu.dma_semaphore, #tpu.memory_space<semaphore_mem>> -> memref<1x!tpu.dma_semaphore, #tpu.memory_space<semaphore_mem>>
    %dma_start3A_172 = tpu.memref_squeeze %dma_start3A_171 : memref<1x!tpu.dma_semaphore, #tpu.memory_space<semaphore_mem>> -> memref<!tpu.dma_semaphore, #tpu.memory_space<semaphore_mem>>
    %dma_start3A_173 = tpu.memref_slice %arg2[%multiple_of3A, %add3A_168] : memref<32x1000000xf32, #tpu.memory_space<hbm>> -> memref<8x7808xf32, #tpu.memory_space<hbm>>
    tpu.enqueue_dma source(%dma_start3A_173 : memref<8x7808xf32, #tpu.memory_space<hbm>>) target(%arg4 : memref<8x7808xf32, #tpu.memory_space<vmem>>) target_semaphore(%dma_start3A_172 : memref<!tpu.dma_semaphore, #tpu.memory_space<semaphore_mem>>)
    %add3A_174 = arith.constant 46848 : i32
    %add3A_175 = arith.addi %multiple_of3A_7, %add3A_174 : i32
    %dma_wait3A_176 = arith.constant 0 : i32
    %dma_wait3A_177 = tpu.memref_slice %arg2[%multiple_of3A, %add3A_175] : memref<32x1000000xf32, #tpu.memory_space<hbm>> -> memref<8x7808xf32, #tpu.memory_space<hbm>>
    %dma_wait3A_178 = tpu.memref_slice %arg7[%dma_wait3A_176] : memref<2x!tpu.dma_semaphore, #tpu.memory_space<semaphore_mem>> -> memref<1x!tpu.dma_semaphore, #tpu.memory_space<semaphore_mem>>
    %dma_wait3A_179 = tpu.memref_squeeze %dma_wait3A_178 : memref<1x!tpu.dma_semaphore, #tpu.memory_space<semaphore_mem>> -> memref<!tpu.dma_semaphore, #tpu.memory_space<semaphore_mem>>
    %dma_wait3A_180 = tpu.memref_slice %arg2[%multiple_of3A, %add3A_175] : memref<32x1000000xf32, #tpu.memory_space<hbm>> -> memref<8x7808xf32, #tpu.memory_space<hbm>>
    tpu.wait_dma2 semaphore(%dma_wait3A_179 : memref<!tpu.dma_semaphore, #tpu.memory_space<semaphore_mem>>) src(%dma_wait3A_180 : memref<8x7808xf32, #tpu.memory_space<hbm>>) dst(%arg4 : memref<8x7808xf32, #tpu.memory_space<vmem>>)
    %add3A_181 = arith.constant 46848 : i32
    %add3A_182 = arith.addi %multiple_of3A_7, %add3A_181 : i32
    %dma_start3A_183 = arith.constant 0 : i32
    %dma_start3A_184 = tpu.memref_slice %arg3[%multiple_of3A, %add3A_182] : memref<32x1000000xf32, #tpu.memory_space<hbm>> -> memref<8x7808xf32, #tpu.memory_space<hbm>>
    %dma_start3A_185 = tpu.memref_slice %arg8[%dma_start3A_183] : memref<2x!tpu.dma_semaphore, #tpu.memory_space<semaphore_mem>> -> memref<1x!tpu.dma_semaphore, #tpu.memory_space<semaphore_mem>>
    %dma_start3A_186 = tpu.memref_squeeze %dma_start3A_185 : memref<1x!tpu.dma_semaphore, #tpu.memory_space<semaphore_mem>> -> memref<!tpu.dma_semaphore, #tpu.memory_space<semaphore_mem>>
    %dma_start3A_187 = tpu.memref_slice %arg3[%multiple_of3A, %add3A_182] : memref<32x1000000xf32, #tpu.memory_space<hbm>> -> memref<8x7808xf32, #tpu.memory_space<hbm>>
    tpu.enqueue_dma source(%arg4 : memref<8x7808xf32, #tpu.memory_space<vmem>>) target(%dma_start3A_187 : memref<8x7808xf32, #tpu.memory_space<hbm>>) target_semaphore(%dma_start3A_186 : memref<!tpu.dma_semaphore, #tpu.memory_space<semaphore_mem>>)
    %add3A_188 = arith.constant 39040 : i32
    %add3A_189 = arith.addi %multiple_of3A_7, %add3A_188 : i32
    %dma_wait3A_190 = arith.constant 1 : i32
    %dma_wait3A_191 = tpu.memref_slice %arg3[%multiple_of3A, %add3A_189] : memref<32x1000000xf32, #tpu.memory_space<hbm>> -> memref<8x7808xf32, #tpu.memory_space<hbm>>
    %dma_wait3A_192 = tpu.memref_slice %arg8[%dma_wait3A_190] : memref<2x!tpu.dma_semaphore, #tpu.memory_space<semaphore_mem>> -> memref<1x!tpu.dma_semaphore, #tpu.memory_space<semaphore_mem>>
    %dma_wait3A_193 = tpu.memref_squeeze %dma_wait3A_192 : memref<1x!tpu.dma_semaphore, #tpu.memory_space<semaphore_mem>> -> memref<!tpu.dma_semaphore, #tpu.memory_space<semaphore_mem>>
    %dma_wait3A_194 = tpu.memref_slice %arg3[%multiple_of3A, %add3A_189] : memref<32x1000000xf32, #tpu.memory_space<hbm>> -> memref<8x7808xf32, #tpu.memory_space<hbm>>
    tpu.wait_dma2 semaphore(%dma_wait3A_193 : memref<!tpu.dma_semaphore, #tpu.memory_space<semaphore_mem>>) src(%arg5 : memref<8x7808xf32, #tpu.memory_space<vmem>>) dst(%dma_wait3A_194 : memref<8x7808xf32, #tpu.memory_space<hbm>>)
    %add3A_195 = arith.constant 54656 : i32
    %add3A_196 = arith.addi %multiple_of3A_7, %add3A_195 : i32
    %dma_start3A_197 = arith.constant 1 : i32
    %dma_start3A_198 = tpu.memref_slice %arg2[%multiple_of3A, %add3A_196] : memref<32x1000000xf32, #tpu.memory_space<hbm>> -> memref<8x7808xf32, #tpu.memory_space<hbm>>
    %dma_start3A_199 = tpu.memref_slice %arg7[%dma_start3A_197] : memref<2x!tpu.dma_semaphore, #tpu.memory_space<semaphore_mem>> -> memref<1x!tpu.dma_semaphore, #tpu.memory_space<semaphore_mem>>
    %dma_start3A_200 = tpu.memref_squeeze %dma_start3A_199 : memref<1x!tpu.dma_semaphore, #tpu.memory_space<semaphore_mem>> -> memref<!tpu.dma_semaphore, #tpu.memory_space<semaphore_mem>>
    %dma_start3A_201 = tpu.memref_slice %arg2[%multiple_of3A, %add3A_196] : memref<32x1000000xf32, #tpu.memory_space<hbm>> -> memref<8x7808xf32, #tpu.memory_space<hbm>>
    tpu.enqueue_dma source(%dma_start3A_201 : memref<8x7808xf32, #tpu.memory_space<hbm>>) target(%arg5 : memref<8x7808xf32, #tpu.memory_space<vmem>>) target_semaphore(%dma_start3A_200 : memref<!tpu.dma_semaphore, #tpu.memory_space<semaphore_mem>>)
    %add3A_202 = arith.constant 54656 : i32
    %add3A_203 = arith.addi %multiple_of3A_7, %add3A_202 : i32
    %dma_wait3A_204 = arith.constant 1 : i32
    %dma_wait3A_205 = tpu.memref_slice %arg2[%multiple_of3A, %add3A_203] : memref<32x1000000xf32, #tpu.memory_space<hbm>> -> memref<8x7808xf32, #tpu.memory_space<hbm>>
    %dma_wait3A_206 = tpu.memref_slice %arg7[%dma_wait3A_204] : memref<2x!tpu.dma_semaphore, #tpu.memory_space<semaphore_mem>> -> memref<1x!tpu.dma_semaphore, #tpu.memory_space<semaphore_mem>>
    %dma_wait3A_207 = tpu.memref_squeeze %dma_wait3A_206 : memref<1x!tpu.dma_semaphore, #tpu.memory_space<semaphore_mem>> -> memref<!tpu.dma_semaphore, #tpu.memory_space<semaphore_mem>>
    %dma_wait3A_208 = tpu.memref_slice %arg2[%multiple_of3A, %add3A_203] : memref<32x1000000xf32, #tpu.memory_space<hbm>> -> memref<8x7808xf32, #tpu.memory_space<hbm>>
    tpu.wait_dma2 semaphore(%dma_wait3A_207 : memref<!tpu.dma_semaphore, #tpu.memory_space<semaphore_mem>>) src(%dma_wait3A_208 : memref<8x7808xf32, #tpu.memory_space<hbm>>) dst(%arg5 : memref<8x7808xf32, #tpu.memory_space<vmem>>)
    %add3A_209 = arith.constant 54656 : i32
    %add3A_210 = arith.addi %multiple_of3A_7, %add3A_209 : i32
    %dma_start3A_211 = arith.constant 1 : i32
    %dma_start3A_212 = tpu.memref_slice %arg3[%multiple_of3A, %add3A_210] : memref<32x1000000xf32, #tpu.memory_space<hbm>> -> memref<8x7808xf32, #tpu.memory_space<hbm>>
    %dma_start3A_213 = tpu.memref_slice %arg8[%dma_start3A_211] : memref<2x!tpu.dma_semaphore, #tpu.memory_space<semaphore_mem>> -> memref<1x!tpu.dma_semaphore, #tpu.memory_space<semaphore_mem>>
    %dma_start3A_214 = tpu.memref_squeeze %dma_start3A_213 : memref<1x!tpu.dma_semaphore, #tpu.memory_space<semaphore_mem>> -> memref<!tpu.dma_semaphore, #tpu.memory_space<semaphore_mem>>
    %dma_start3A_215 = tpu.memref_slice %arg3[%multiple_of3A, %add3A_210] : memref<32x1000000xf32, #tpu.memory_space<hbm>> -> memref<8x7808xf32, #tpu.memory_space<hbm>>
    tpu.enqueue_dma source(%arg5 : memref<8x7808xf32, #tpu.memory_space<vmem>>) target(%dma_start3A_215 : memref<8x7808xf32, #tpu.memory_space<hbm>>) target_semaphore(%dma_start3A_214 : memref<!tpu.dma_semaphore, #tpu.memory_space<semaphore_mem>>)
    %add3A_216 = arith.constant 46848 : i32
    %add3A_217 = arith.addi %multiple_of3A_7, %add3A_216 : i32
    %dma_wait3A_218 = arith.constant 0 : i32
    %dma_wait3A_219 = tpu.memref_slice %arg3[%multiple_of3A, %add3A_217] : memref<32x1000000xf32, #tpu.memory_space<hbm>> -> memref<8x7808xf32, #tpu.memory_space<hbm>>
    %dma_wait3A_220 = tpu.memref_slice %arg8[%dma_wait3A_218] : memref<2x!tpu.dma_semaphore, #tpu.memory_space<semaphore_mem>> -> memref<1x!tpu.dma_semaphore, #tpu.memory_space<semaphore_mem>>
    %dma_wait3A_221 = tpu.memref_squeeze %dma_wait3A_220 : memref<1x!tpu.dma_semaphore, #tpu.memory_space<semaphore_mem>> -> memref<!tpu.dma_semaphore, #tpu.memory_space<semaphore_mem>>
    %dma_wait3A_222 = tpu.memref_slice %arg3[%multiple_of3A, %add3A_217] : memref<32x1000000xf32, #tpu.memory_space<hbm>> -> memref<8x7808xf32, #tpu.memory_space<hbm>>
    tpu.wait_dma2 semaphore(%dma_wait3A_221 : memref<!tpu.dma_semaphore, #tpu.memory_space<semaphore_mem>>) src(%arg4 : memref<8x7808xf32, #tpu.memory_space<vmem>>) dst(%dma_wait3A_222 : memref<8x7808xf32, #tpu.memory_space<hbm>>)
    %add3A_223 = arith.constant 62464 : i32
    %add3A_224 = arith.addi %multiple_of3A_7, %add3A_223 : i32
    %dma_start3A_225 = arith.constant 0 : i32
    %dma_start3A_226 = tpu.memref_slice %arg2[%multiple_of3A, %add3A_224] : memref<32x1000000xf32, #tpu.memory_space<hbm>> -> memref<8x7808xf32, #tpu.memory_space<hbm>>
    %dma_start3A_227 = tpu.memref_slice %arg7[%dma_start3A_225] : memref<2x!tpu.dma_semaphore, #tpu.memory_space<semaphore_mem>> -> memref<1x!tpu.dma_semaphore, #tpu.memory_space<semaphore_mem>>
    %dma_start3A_228 = tpu.memref_squeeze %dma_start3A_227 : memref<1x!tpu.dma_semaphore, #tpu.memory_space<semaphore_mem>> -> memref<!tpu.dma_semaphore, #tpu.memory_space<semaphore_mem>>
    %dma_start3A_229 = tpu.memref_slice %arg2[%multiple_of3A, %add3A_224] : memref<32x1000000xf32, #tpu.memory_space<hbm>> -> memref<8x7808xf32, #tpu.memory_space<hbm>>
    tpu.enqueue_dma source(%dma_start3A_229 : memref<8x7808xf32, #tpu.memory_space<hbm>>) target(%arg4 : memref<8x7808xf32, #tpu.memory_space<vmem>>) target_semaphore(%dma_start3A_228 : memref<!tpu.dma_semaphore, #tpu.memory_space<semaphore_mem>>)
    %add3A_230 = arith.constant 62464 : i32
    %add3A_231 = arith.addi %multiple_of3A_7, %add3A_230 : i32
    %dma_wait3A_232 = arith.constant 0 : i32
    %dma_wait3A_233 = tpu.memref_slice %arg2[%multiple_of3A, %add3A_231] : memref<32x1000000xf32, #tpu.memory_space<hbm>> -> memref<8x7808xf32, #tpu.memory_space<hbm>>
    %dma_wait3A_234 = tpu.memref_slice %arg7[%dma_wait3A_232] : memref<2x!tpu.dma_semaphore, #tpu.memory_space<semaphore_mem>> -> memref<1x!tpu.dma_semaphore, #tpu.memory_space<semaphore_mem>>
    %dma_wait3A_235 = tpu.memref_squeeze %dma_wait3A_234 : memref<1x!tpu.dma_semaphore, #tpu.memory_space<semaphore_mem>> -> memref<!tpu.dma_semaphore, #tpu.memory_space<semaphore_mem>>
    %dma_wait3A_236 = tpu.memref_slice %arg2[%multiple_of3A, %add3A_231] : memref<32x1000000xf32, #tpu.memory_space<hbm>> -> memref<8x7808xf32, #tpu.memory_space<hbm>>
    tpu.wait_dma2 semaphore(%dma_wait3A_235 : memref<!tpu.dma_semaphore, #tpu.memory_space<semaphore_mem>>) src(%dma_wait3A_236 : memref<8x7808xf32, #tpu.memory_space<hbm>>) dst(%arg4 : memref<8x7808xf32, #tpu.memory_space<vmem>>)
    %add3A_237 = arith.constant 62464 : i32
    %add3A_238 = arith.addi %multiple_of3A_7, %add3A_237 : i32
    %dma_start3A_239 = arith.constant 0 : i32
    %dma_start3A_240 = tpu.memref_slice %arg3[%multiple_of3A, %add3A_238] : memref<32x1000000xf32, #tpu.memory_space<hbm>> -> memref<8x7808xf32, #tpu.memory_space<hbm>>
    %dma_start3A_241 = tpu.memref_slice %arg8[%dma_start3A_239] : memref<2x!tpu.dma_semaphore, #tpu.memory_space<semaphore_mem>> -> memref<1x!tpu.dma_semaphore, #tpu.memory_space<semaphore_mem>>
    %dma_start3A_242 = tpu.memref_squeeze %dma_start3A_241 : memref<1x!tpu.dma_semaphore, #tpu.memory_space<semaphore_mem>> -> memref<!tpu.dma_semaphore, #tpu.memory_space<semaphore_mem>>
    %dma_start3A_243 = tpu.memref_slice %arg3[%multiple_of3A, %add3A_238] : memref<32x1000000xf32, #tpu.memory_space<hbm>> -> memref<8x7808xf32, #tpu.memory_space<hbm>>
    tpu.enqueue_dma source(%arg4 : memref<8x7808xf32, #tpu.memory_space<vmem>>) target(%dma_start3A_243 : memref<8x7808xf32, #tpu.memory_space<hbm>>) target_semaphore(%dma_start3A_242 : memref<!tpu.dma_semaphore, #tpu.memory_space<semaphore_mem>>)
    %add3A_244 = arith.constant 54656 : i32
    %add3A_245 = arith.addi %multiple_of3A_7, %add3A_244 : i32
    %dma_wait3A_246 = arith.constant 1 : i32
    %dma_wait3A_247 = tpu.memref_slice %arg3[%multiple_of3A, %add3A_245] : memref<32x1000000xf32, #tpu.memory_space<hbm>> -> memref<8x7808xf32, #tpu.memory_space<hbm>>
    %dma_wait3A_248 = tpu.memref_slice %arg8[%dma_wait3A_246] : memref<2x!tpu.dma_semaphore, #tpu.memory_space<semaphore_mem>> -> memref<1x!tpu.dma_semaphore, #tpu.memory_space<semaphore_mem>>
    %dma_wait3A_249 = tpu.memref_squeeze %dma_wait3A_248 : memref<1x!tpu.dma_semaphore, #tpu.memory_space<semaphore_mem>> -> memref<!tpu.dma_semaphore, #tpu.memory_space<semaphore_mem>>
    %dma_wait3A_250 = tpu.memref_slice %arg3[%multiple_of3A, %add3A_245] : memref<32x1000000xf32, #tpu.memory_space<hbm>> -> memref<8x7808xf32, #tpu.memory_space<hbm>>
    tpu.wait_dma2 semaphore(%dma_wait3A_249 : memref<!tpu.dma_semaphore, #tpu.memory_space<semaphore_mem>>) src(%arg5 : memref<8x7808xf32, #tpu.memory_space<vmem>>) dst(%dma_wait3A_250 : memref<8x7808xf32, #tpu.memory_space<hbm>>)
    %add3A_251 = arith.constant 70272 : i32
    %add3A_252 = arith.addi %multiple_of3A_7, %add3A_251 : i32
    %dma_start3A_253 = arith.constant 1 : i32
    %dma_start3A_254 = tpu.memref_slice %arg2[%multiple_of3A, %add3A_252] : memref<32x1000000xf32, #tpu.memory_space<hbm>> -> memref<8x7808xf32, #tpu.memory_space<hbm>>
    %dma_start3A_255 = tpu.memref_slice %arg7[%dma_start3A_253] : memref<2x!tpu.dma_semaphore, #tpu.memory_space<semaphore_mem>> -> memref<1x!tpu.dma_semaphore, #tpu.memory_space<semaphore_mem>>
    %dma_start3A_256 = tpu.memref_squeeze %dma_start3A_255 : memref<1x!tpu.dma_semaphore, #tpu.memory_space<semaphore_mem>> -> memref<!tpu.dma_semaphore, #tpu.memory_space<semaphore_mem>>
    %dma_start3A_257 = tpu.memref_slice %arg2[%multiple_of3A, %add3A_252] : memref<32x1000000xf32, #tpu.memory_space<hbm>> -> memref<8x7808xf32, #tpu.memory_space<hbm>>
    tpu.enqueue_dma source(%dma_start3A_257 : memref<8x7808xf32, #tpu.memory_space<hbm>>) target(%arg5 : memref<8x7808xf32, #tpu.memory_space<vmem>>) target_semaphore(%dma_start3A_256 : memref<!tpu.dma_semaphore, #tpu.memory_space<semaphore_mem>>)
    %add3A_258 = arith.constant 70272 : i32
    %add3A_259 = arith.addi %multiple_of3A_7, %add3A_258 : i32
    %dma_wait3A_260 = arith.constant 1 : i32
    %dma_wait3A_261 = tpu.memref_slice %arg2[%multiple_of3A, %add3A_259] : memref<32x1000000xf32, #tpu.memory_space<hbm>> -> memref<8x7808xf32, #tpu.memory_space<hbm>>
    %dma_wait3A_262 = tpu.memref_slice %arg7[%dma_wait3A_260] : memref<2x!tpu.dma_semaphore, #tpu.memory_space<semaphore_mem>> -> memref<1x!tpu.dma_semaphore, #tpu.memory_space<semaphore_mem>>
    %dma_wait3A_263 = tpu.memref_squeeze %dma_wait3A_262 : memref<1x!tpu.dma_semaphore, #tpu.memory_space<semaphore_mem>> -> memref<!tpu.dma_semaphore, #tpu.memory_space<semaphore_mem>>
    %dma_wait3A_264 = tpu.memref_slice %arg2[%multiple_of3A, %add3A_259] : memref<32x1000000xf32, #tpu.memory_space<hbm>> -> memref<8x7808xf32, #tpu.memory_space<hbm>>
    tpu.wait_dma2 semaphore(%dma_wait3A_263 : memref<!tpu.dma_semaphore, #tpu.memory_space<semaphore_mem>>) src(%dma_wait3A_264 : memref<8x7808xf32, #tpu.memory_space<hbm>>) dst(%arg5 : memref<8x7808xf32, #tpu.memory_space<vmem>>)
    %add3A_265 = arith.constant 70272 : i32
    %add3A_266 = arith.addi %multiple_of3A_7, %add3A_265 : i32
    %dma_start3A_267 = arith.constant 1 : i32
    %dma_start3A_268 = tpu.memref_slice %arg3[%multiple_of3A, %add3A_266] : memref<32x1000000xf32, #tpu.memory_space<hbm>> -> memref<8x7808xf32, #tpu.memory_space<hbm>>
    %dma_start3A_269 = tpu.memref_slice %arg8[%dma_start3A_267] : memref<2x!tpu.dma_semaphore, #tpu.memory_space<semaphore_mem>> -> memref<1x!tpu.dma_semaphore, #tpu.memory_space<semaphore_mem>>
    %dma_start3A_270 = tpu.memref_squeeze %dma_start3A_269 : memref<1x!tpu.dma_semaphore, #tpu.memory_space<semaphore_mem>> -> memref<!tpu.dma_semaphore, #tpu.memory_space<semaphore_mem>>
    %dma_start3A_271 = tpu.memref_slice %arg3[%multiple_of3A, %add3A_266] : memref<32x1000000xf32, #tpu.memory_space<hbm>> -> memref<8x7808xf32, #tpu.memory_space<hbm>>
    tpu.enqueue_dma source(%arg5 : memref<8x7808xf32, #tpu.memory_space<vmem>>) target(%dma_start3A_271 : memref<8x7808xf32, #tpu.memory_space<hbm>>) target_semaphore(%dma_start3A_270 : memref<!tpu.dma_semaphore, #tpu.memory_space<semaphore_mem>>)
    %add3A_272 = arith.constant 62464 : i32
    %add3A_273 = arith.addi %multiple_of3A_7, %add3A_272 : i32
    %dma_wait3A_274 = arith.constant 0 : i32
    %dma_wait3A_275 = tpu.memref_slice %arg3[%multiple_of3A, %add3A_273] : memref<32x1000000xf32, #tpu.memory_space<hbm>> -> memref<8x7808xf32, #tpu.memory_space<hbm>>
    %dma_wait3A_276 = tpu.memref_slice %arg8[%dma_wait3A_274] : memref<2x!tpu.dma_semaphore, #tpu.memory_space<semaphore_mem>> -> memref<1x!tpu.dma_semaphore, #tpu.memory_space<semaphore_mem>>
    %dma_wait3A_277 = tpu.memref_squeeze %dma_wait3A_276 : memref<1x!tpu.dma_semaphore, #tpu.memory_space<semaphore_mem>> -> memref<!tpu.dma_semaphore, #tpu.memory_space<semaphore_mem>>
    %dma_wait3A_278 = tpu.memref_slice %arg3[%multiple_of3A, %add3A_273] : memref<32x1000000xf32, #tpu.memory_space<hbm>> -> memref<8x7808xf32, #tpu.memory_space<hbm>>
    tpu.wait_dma2 semaphore(%dma_wait3A_277 : memref<!tpu.dma_semaphore, #tpu.memory_space<semaphore_mem>>) src(%arg4 : memref<8x7808xf32, #tpu.memory_space<vmem>>) dst(%dma_wait3A_278 : memref<8x7808xf32, #tpu.memory_space<hbm>>)
    %add3A_279 = arith.constant 78080 : i32
    %add3A_280 = arith.addi %multiple_of3A_7, %add3A_279 : i32
    %dma_start3A_281 = arith.constant 0 : i32
    %dma_start3A_282 = tpu.memref_slice %arg2[%multiple_of3A, %add3A_280] : memref<32x1000000xf32, #tpu.memory_space<hbm>> -> memref<8x7808xf32, #tpu.memory_space<hbm>>
    %dma_start3A_283 = tpu.memref_slice %arg7[%dma_start3A_281] : memref<2x!tpu.dma_semaphore, #tpu.memory_space<semaphore_mem>> -> memref<1x!tpu.dma_semaphore, #tpu.memory_space<semaphore_mem>>
    %dma_start3A_284 = tpu.memref_squeeze %dma_start3A_283 : memref<1x!tpu.dma_semaphore, #tpu.memory_space<semaphore_mem>> -> memref<!tpu.dma_semaphore, #tpu.memory_space<semaphore_mem>>
    %dma_start3A_285 = tpu.memref_slice %arg2[%multiple_of3A, %add3A_280] : memref<32x1000000xf32, #tpu.memory_space<hbm>> -> memref<8x7808xf32, #tpu.memory_space<hbm>>
    tpu.enqueue_dma source(%dma_start3A_285 : memref<8x7808xf32, #tpu.memory_space<hbm>>) target(%arg4 : memref<8x7808xf32, #tpu.memory_space<vmem>>) target_semaphore(%dma_start3A_284 : memref<!tpu.dma_semaphore, #tpu.memory_space<semaphore_mem>>)
    %add3A_286 = arith.constant 78080 : i32
    %add3A_287 = arith.addi %multiple_of3A_7, %add3A_286 : i32
    %dma_wait3A_288 = arith.constant 0 : i32
    %dma_wait3A_289 = tpu.memref_slice %arg2[%multiple_of3A, %add3A_287] : memref<32x1000000xf32, #tpu.memory_space<hbm>> -> memref<8x7808xf32, #tpu.memory_space<hbm>>
    %dma_wait3A_290 = tpu.memref_slice %arg7[%dma_wait3A_288] : memref<2x!tpu.dma_semaphore, #tpu.memory_space<semaphore_mem>> -> memref<1x!tpu.dma_semaphore, #tpu.memory_space<semaphore_mem>>
    %dma_wait3A_291 = tpu.memref_squeeze %dma_wait3A_290 : memref<1x!tpu.dma_semaphore, #tpu.memory_space<semaphore_mem>> -> memref<!tpu.dma_semaphore, #tpu.memory_space<semaphore_mem>>
    %dma_wait3A_292 = tpu.memref_slice %arg2[%multiple_of3A, %add3A_287] : memref<32x1000000xf32, #tpu.memory_space<hbm>> -> memref<8x7808xf32, #tpu.memory_space<hbm>>
    tpu.wait_dma2 semaphore(%dma_wait3A_291 : memref<!tpu.dma_semaphore, #tpu.memory_space<semaphore_mem>>) src(%dma_wait3A_292 : memref<8x7808xf32, #tpu.memory_space<hbm>>) dst(%arg4 : memref<8x7808xf32, #tpu.memory_space<vmem>>)
    %add3A_293 = arith.constant 78080 : i32
    %add3A_294 = arith.addi %multiple_of3A_7, %add3A_293 : i32
    %dma_start3A_295 = arith.constant 0 : i32
    %dma_start3A_296 = tpu.memref_slice %arg3[%multiple_of3A, %add3A_294] : memref<32x1000000xf32, #tpu.memory_space<hbm>> -> memref<8x7808xf32, #tpu.memory_space<hbm>>
    %dma_start3A_297 = tpu.memref_slice %arg8[%dma_start3A_295] : memref<2x!tpu.dma_semaphore, #tpu.memory_space<semaphore_mem>> -> memref<1x!tpu.dma_semaphore, #tpu.memory_space<semaphore_mem>>
    %dma_start3A_298 = tpu.memref_squeeze %dma_start3A_297 : memref<1x!tpu.dma_semaphore, #tpu.memory_space<semaphore_mem>> -> memref<!tpu.dma_semaphore, #tpu.memory_space<semaphore_mem>>
    %dma_start3A_299 = tpu.memref_slice %arg3[%multiple_of3A, %add3A_294] : memref<32x1000000xf32, #tpu.memory_space<hbm>> -> memref<8x7808xf32, #tpu.memory_space<hbm>>
    tpu.enqueue_dma source(%arg4 : memref<8x7808xf32, #tpu.memory_space<vmem>>) target(%dma_start3A_299 : memref<8x7808xf32, #tpu.memory_space<hbm>>) target_semaphore(%dma_start3A_298 : memref<!tpu.dma_semaphore, #tpu.memory_space<semaphore_mem>>)
    %add3A_300 = arith.constant 70272 : i32
    %add3A_301 = arith.addi %multiple_of3A_7, %add3A_300 : i32
    %dma_wait3A_302 = arith.constant 1 : i32
    %dma_wait3A_303 = tpu.memref_slice %arg3[%multiple_of3A, %add3A_301] : memref<32x1000000xf32, #tpu.memory_space<hbm>> -> memref<8x7808xf32, #tpu.memory_space<hbm>>
    %dma_wait3A_304 = tpu.memref_slice %arg8[%dma_wait3A_302] : memref<2x!tpu.dma_semaphore, #tpu.memory_space<semaphore_mem>> -> memref<1x!tpu.dma_semaphore, #tpu.memory_space<semaphore_mem>>
    %dma_wait3A_305 = tpu.memref_squeeze %dma_wait3A_304 : memref<1x!tpu.dma_semaphore, #tpu.memory_space<semaphore_mem>> -> memref<!tpu.dma_semaphore, #tpu.memory_space<semaphore_mem>>
    %dma_wait3A_306 = tpu.memref_slice %arg3[%multiple_of3A, %add3A_301] : memref<32x1000000xf32, #tpu.memory_space<hbm>> -> memref<8x7808xf32, #tpu.memory_space<hbm>>
    tpu.wait_dma2 semaphore(%dma_wait3A_305 : memref<!tpu.dma_semaphore, #tpu.memory_space<semaphore_mem>>) src(%arg5 : memref<8x7808xf32, #tpu.memory_space<vmem>>) dst(%dma_wait3A_306 : memref<8x7808xf32, #tpu.memory_space<hbm>>)
    %add3A_307 = arith.constant 85888 : i32
    %add3A_308 = arith.addi %multiple_of3A_7, %add3A_307 : i32
    %dma_start3A_309 = arith.constant 1 : i32
    %dma_start3A_310 = tpu.memref_slice %arg2[%multiple_of3A, %add3A_308] : memref<32x1000000xf32, #tpu.memory_space<hbm>> -> memref<8x7808xf32, #tpu.memory_space<hbm>>
    %dma_start3A_311 = tpu.memref_slice %arg7[%dma_start3A_309] : memref<2x!tpu.dma_semaphore, #tpu.memory_space<semaphore_mem>> -> memref<1x!tpu.dma_semaphore, #tpu.memory_space<semaphore_mem>>
    %dma_start3A_312 = tpu.memref_squeeze %dma_start3A_311 : memref<1x!tpu.dma_semaphore, #tpu.memory_space<semaphore_mem>> -> memref<!tpu.dma_semaphore, #tpu.memory_space<semaphore_mem>>
    %dma_start3A_313 = tpu.memref_slice %arg2[%multiple_of3A, %add3A_308] : memref<32x1000000xf32, #tpu.memory_space<hbm>> -> memref<8x7808xf32, #tpu.memory_space<hbm>>
    tpu.enqueue_dma source(%dma_start3A_313 : memref<8x7808xf32, #tpu.memory_space<hbm>>) target(%arg5 : memref<8x7808xf32, #tpu.memory_space<vmem>>) target_semaphore(%dma_start3A_312 : memref<!tpu.dma_semaphore, #tpu.memory_space<semaphore_mem>>)
    %add3A_314 = arith.constant 85888 : i32
    %add3A_315 = arith.addi %multiple_of3A_7, %add3A_314 : i32
    %dma_wait3A_316 = arith.constant 1 : i32
    %dma_wait3A_317 = tpu.memref_slice %arg2[%multiple_of3A, %add3A_315] : memref<32x1000000xf32, #tpu.memory_space<hbm>> -> memref<8x7808xf32, #tpu.memory_space<hbm>>
    %dma_wait3A_318 = tpu.memref_slice %arg7[%dma_wait3A_316] : memref<2x!tpu.dma_semaphore, #tpu.memory_space<semaphore_mem>> -> memref<1x!tpu.dma_semaphore, #tpu.memory_space<semaphore_mem>>
    %dma_wait3A_319 = tpu.memref_squeeze %dma_wait3A_318 : memref<1x!tpu.dma_semaphore, #tpu.memory_space<semaphore_mem>> -> memref<!tpu.dma_semaphore, #tpu.memory_space<semaphore_mem>>
    %dma_wait3A_320 = tpu.memref_slice %arg2[%multiple_of3A, %add3A_315] : memref<32x1000000xf32, #tpu.memory_space<hbm>> -> memref<8x7808xf32, #tpu.memory_space<hbm>>
    tpu.wait_dma2 semaphore(%dma_wait3A_319 : memref<!tpu.dma_semaphore, #tpu.memory_space<semaphore_mem>>) src(%dma_wait3A_320 : memref<8x7808xf32, #tpu.memory_space<hbm>>) dst(%arg5 : memref<8x7808xf32, #tpu.memory_space<vmem>>)
    %add3A_321 = arith.constant 85888 : i32
    %add3A_322 = arith.addi %multiple_of3A_7, %add3A_321 : i32
    %dma_start3A_323 = arith.constant 1 : i32
    %dma_start3A_324 = tpu.memref_slice %arg3[%multiple_of3A, %add3A_322] : memref<32x1000000xf32, #tpu.memory_space<hbm>> -> memref<8x7808xf32, #tpu.memory_space<hbm>>
    %dma_start3A_325 = tpu.memref_slice %arg8[%dma_start3A_323] : memref<2x!tpu.dma_semaphore, #tpu.memory_space<semaphore_mem>> -> memref<1x!tpu.dma_semaphore, #tpu.memory_space<semaphore_mem>>
    %dma_start3A_326 = tpu.memref_squeeze %dma_start3A_325 : memref<1x!tpu.dma_semaphore, #tpu.memory_space<semaphore_mem>> -> memref<!tpu.dma_semaphore, #tpu.memory_space<semaphore_mem>>
    %dma_start3A_327 = tpu.memref_slice %arg3[%multiple_of3A, %add3A_322] : memref<32x1000000xf32, #tpu.memory_space<hbm>> -> memref<8x7808xf32, #tpu.memory_space<hbm>>
    tpu.enqueue_dma source(%arg5 : memref<8x7808xf32, #tpu.memory_space<vmem>>) target(%dma_start3A_327 : memref<8x7808xf32, #tpu.memory_space<hbm>>) target_semaphore(%dma_start3A_326 : memref<!tpu.dma_semaphore, #tpu.memory_space<semaphore_mem>>)
    %add3A_328 = arith.constant 78080 : i32
    %add3A_329 = arith.addi %multiple_of3A_7, %add3A_328 : i32
    %dma_wait3A_330 = arith.constant 0 : i32
    %dma_wait3A_331 = tpu.memref_slice %arg3[%multiple_of3A, %add3A_329] : memref<32x1000000xf32, #tpu.memory_space<hbm>> -> memref<8x7808xf32, #tpu.memory_space<hbm>>
    %dma_wait3A_332 = tpu.memref_slice %arg8[%dma_wait3A_330] : memref<2x!tpu.dma_semaphore, #tpu.memory_space<semaphore_mem>> -> memref<1x!tpu.dma_semaphore, #tpu.memory_space<semaphore_mem>>
    %dma_wait3A_333 = tpu.memref_squeeze %dma_wait3A_332 : memref<1x!tpu.dma_semaphore, #tpu.memory_space<semaphore_mem>> -> memref<!tpu.dma_semaphore, #tpu.memory_space<semaphore_mem>>
    %dma_wait3A_334 = tpu.memref_slice %arg3[%multiple_of3A, %add3A_329] : memref<32x1000000xf32, #tpu.memory_space<hbm>> -> memref<8x7808xf32, #tpu.memory_space<hbm>>
    tpu.wait_dma2 semaphore(%dma_wait3A_333 : memref<!tpu.dma_semaphore, #tpu.memory_space<semaphore_mem>>) src(%arg4 : memref<8x7808xf32, #tpu.memory_space<vmem>>) dst(%dma_wait3A_334 : memref<8x7808xf32, #tpu.memory_space<hbm>>)
    %add3A_335 = arith.constant 93696 : i32
    %add3A_336 = arith.addi %multiple_of3A_7, %add3A_335 : i32
    %dma_start3A_337 = arith.constant 0 : i32
    %dma_start3A_338 = tpu.memref_slice %arg2[%multiple_of3A, %add3A_336] : memref<32x1000000xf32, #tpu.memory_space<hbm>> -> memref<8x7808xf32, #tpu.memory_space<hbm>>
    %dma_start3A_339 = tpu.memref_slice %arg7[%dma_start3A_337] : memref<2x!tpu.dma_semaphore, #tpu.memory_space<semaphore_mem>> -> memref<1x!tpu.dma_semaphore, #tpu.memory_space<semaphore_mem>>
    %dma_start3A_340 = tpu.memref_squeeze %dma_start3A_339 : memref<1x!tpu.dma_semaphore, #tpu.memory_space<semaphore_mem>> -> memref<!tpu.dma_semaphore, #tpu.memory_space<semaphore_mem>>
    %dma_start3A_341 = tpu.memref_slice %arg2[%multiple_of3A, %add3A_336] : memref<32x1000000xf32, #tpu.memory_space<hbm>> -> memref<8x7808xf32, #tpu.memory_space<hbm>>
    tpu.enqueue_dma source(%dma_start3A_341 : memref<8x7808xf32, #tpu.memory_space<hbm>>) target(%arg4 : memref<8x7808xf32, #tpu.memory_space<vmem>>) target_semaphore(%dma_start3A_340 : memref<!tpu.dma_semaphore, #tpu.memory_space<semaphore_mem>>)
    %add3A_342 = arith.constant 93696 : i32
    %add3A_343 = arith.addi %multiple_of3A_7, %add3A_342 : i32
    %dma_wait3A_344 = arith.constant 0 : i32
    %dma_wait3A_345 = tpu.memref_slice %arg2[%multiple_of3A, %add3A_343] : memref<32x1000000xf32, #tpu.memory_space<hbm>> -> memref<8x7808xf32, #tpu.memory_space<hbm>>
    %dma_wait3A_346 = tpu.memref_slice %arg7[%dma_wait3A_344] : memref<2x!tpu.dma_semaphore, #tpu.memory_space<semaphore_mem>> -> memref<1x!tpu.dma_semaphore, #tpu.memory_space<semaphore_mem>>
    %dma_wait3A_347 = tpu.memref_squeeze %dma_wait3A_346 : memref<1x!tpu.dma_semaphore, #tpu.memory_space<semaphore_mem>> -> memref<!tpu.dma_semaphore, #tpu.memory_space<semaphore_mem>>
    %dma_wait3A_348 = tpu.memref_slice %arg2[%multiple_of3A, %add3A_343] : memref<32x1000000xf32, #tpu.memory_space<hbm>> -> memref<8x7808xf32, #tpu.memory_space<hbm>>
    tpu.wait_dma2 semaphore(%dma_wait3A_347 : memref<!tpu.dma_semaphore, #tpu.memory_space<semaphore_mem>>) src(%dma_wait3A_348 : memref<8x7808xf32, #tpu.memory_space<hbm>>) dst(%arg4 : memref<8x7808xf32, #tpu.memory_space<vmem>>)
    %add3A_349 = arith.constant 93696 : i32
    %add3A_350 = arith.addi %multiple_of3A_7, %add3A_349 : i32
    %dma_start3A_351 = arith.constant 0 : i32
    %dma_start3A_352 = tpu.memref_slice %arg3[%multiple_of3A, %add3A_350] : memref<32x1000000xf32, #tpu.memory_space<hbm>> -> memref<8x7808xf32, #tpu.memory_space<hbm>>
    %dma_start3A_353 = tpu.memref_slice %arg8[%dma_start3A_351] : memref<2x!tpu.dma_semaphore, #tpu.memory_space<semaphore_mem>> -> memref<1x!tpu.dma_semaphore, #tpu.memory_space<semaphore_mem>>
    %dma_start3A_354 = tpu.memref_squeeze %dma_start3A_353 : memref<1x!tpu.dma_semaphore, #tpu.memory_space<semaphore_mem>> -> memref<!tpu.dma_semaphore, #tpu.memory_space<semaphore_mem>>
    %dma_start3A_355 = tpu.memref_slice %arg3[%multiple_of3A, %add3A_350] : memref<32x1000000xf32, #tpu.memory_space<hbm>> -> memref<8x7808xf32, #tpu.memory_space<hbm>>
    tpu.enqueue_dma source(%arg4 : memref<8x7808xf32, #tpu.memory_space<vmem>>) target(%dma_start3A_355 : memref<8x7808xf32, #tpu.memory_space<hbm>>) target_semaphore(%dma_start3A_354 : memref<!tpu.dma_semaphore, #tpu.memory_space<semaphore_mem>>)
    %add3A_356 = arith.constant 85888 : i32
    %add3A_357 = arith.addi %multiple_of3A_7, %add3A_356 : i32
    %dma_wait3A_358 = arith.constant 1 : i32
    %dma_wait3A_359 = tpu.memref_slice %arg3[%multiple_of3A, %add3A_357] : memref<32x1000000xf32, #tpu.memory_space<hbm>> -> memref<8x7808xf32, #tpu.memory_space<hbm>>
    %dma_wait3A_360 = tpu.memref_slice %arg8[%dma_wait3A_358] : memref<2x!tpu.dma_semaphore, #tpu.memory_space<semaphore_mem>> -> memref<1x!tpu.dma_semaphore, #tpu.memory_space<semaphore_mem>>
    %dma_wait3A_361 = tpu.memref_squeeze %dma_wait3A_360 : memref<1x!tpu.dma_semaphore, #tpu.memory_space<semaphore_mem>> -> memref<!tpu.dma_semaphore, #tpu.memory_space<semaphore_mem>>
    %dma_wait3A_362 = tpu.memref_slice %arg3[%multiple_of3A, %add3A_357] : memref<32x1000000xf32, #tpu.memory_space<hbm>> -> memref<8x7808xf32, #tpu.memory_space<hbm>>
    tpu.wait_dma2 semaphore(%dma_wait3A_361 : memref<!tpu.dma_semaphore, #tpu.memory_space<semaphore_mem>>) src(%arg5 : memref<8x7808xf32, #tpu.memory_space<vmem>>) dst(%dma_wait3A_362 : memref<8x7808xf32, #tpu.memory_space<hbm>>)
    %add3A_363 = arith.constant 101504 : i32
    %add3A_364 = arith.addi %multiple_of3A_7, %add3A_363 : i32
    %dma_start3A_365 = arith.constant 1 : i32
    %dma_start3A_366 = tpu.memref_slice %arg2[%multiple_of3A, %add3A_364] : memref<32x1000000xf32, #tpu.memory_space<hbm>> -> memref<8x7808xf32, #tpu.memory_space<hbm>>
    %dma_start3A_367 = tpu.memref_slice %arg7[%dma_start3A_365] : memref<2x!tpu.dma_semaphore, #tpu.memory_space<semaphore_mem>> -> memref<1x!tpu.dma_semaphore, #tpu.memory_space<semaphore_mem>>
    %dma_start3A_368 = tpu.memref_squeeze %dma_start3A_367 : memref<1x!tpu.dma_semaphore, #tpu.memory_space<semaphore_mem>> -> memref<!tpu.dma_semaphore, #tpu.memory_space<semaphore_mem>>
    %dma_start3A_369 = tpu.memref_slice %arg2[%multiple_of3A, %add3A_364] : memref<32x1000000xf32, #tpu.memory_space<hbm>> -> memref<8x7808xf32, #tpu.memory_space<hbm>>
    tpu.enqueue_dma source(%dma_start3A_369 : memref<8x7808xf32, #tpu.memory_space<hbm>>) target(%arg5 : memref<8x7808xf32, #tpu.memory_space<vmem>>) target_semaphore(%dma_start3A_368 : memref<!tpu.dma_semaphore, #tpu.memory_space<semaphore_mem>>)
    %add3A_370 = arith.constant 101504 : i32
    %add3A_371 = arith.addi %multiple_of3A_7, %add3A_370 : i32
    %dma_wait3A_372 = arith.constant 1 : i32
    %dma_wait3A_373 = tpu.memref_slice %arg2[%multiple_of3A, %add3A_371] : memref<32x1000000xf32, #tpu.memory_space<hbm>> -> memref<8x7808xf32, #tpu.memory_space<hbm>>
    %dma_wait3A_374 = tpu.memref_slice %arg7[%dma_wait3A_372] : memref<2x!tpu.dma_semaphore, #tpu.memory_space<semaphore_mem>> -> memref<1x!tpu.dma_semaphore, #tpu.memory_space<semaphore_mem>>
    %dma_wait3A_375 = tpu.memref_squeeze %dma_wait3A_374 : memref<1x!tpu.dma_semaphore, #tpu.memory_space<semaphore_mem>> -> memref<!tpu.dma_semaphore, #tpu.memory_space<semaphore_mem>>
    %dma_wait3A_376 = tpu.memref_slice %arg2[%multiple_of3A, %add3A_371] : memref<32x1000000xf32, #tpu.memory_space<hbm>> -> memref<8x7808xf32, #tpu.memory_space<hbm>>
    tpu.wait_dma2 semaphore(%dma_wait3A_375 : memref<!tpu.dma_semaphore, #tpu.memory_space<semaphore_mem>>) src(%dma_wait3A_376 : memref<8x7808xf32, #tpu.memory_space<hbm>>) dst(%arg5 : memref<8x7808xf32, #tpu.memory_space<vmem>>)
    %add3A_377 = arith.constant 101504 : i32
    %add3A_378 = arith.addi %multiple_of3A_7, %add3A_377 : i32
    %dma_start3A_379 = arith.constant 1 : i32
    %dma_start3A_380 = tpu.memref_slice %arg3[%multiple_of3A, %add3A_378] : memref<32x1000000xf32, #tpu.memory_space<hbm>> -> memref<8x7808xf32, #tpu.memory_space<hbm>>
    %dma_start3A_381 = tpu.memref_slice %arg8[%dma_start3A_379] : memref<2x!tpu.dma_semaphore, #tpu.memory_space<semaphore_mem>> -> memref<1x!tpu.dma_semaphore, #tpu.memory_space<semaphore_mem>>
    %dma_start3A_382 = tpu.memref_squeeze %dma_start3A_381 : memref<1x!tpu.dma_semaphore, #tpu.memory_space<semaphore_mem>> -> memref<!tpu.dma_semaphore, #tpu.memory_space<semaphore_mem>>
    %dma_start3A_383 = tpu.memref_slice %arg3[%multiple_of3A, %add3A_378] : memref<32x1000000xf32, #tpu.memory_space<hbm>> -> memref<8x7808xf32, #tpu.memory_space<hbm>>
    tpu.enqueue_dma source(%arg5 : memref<8x7808xf32, #tpu.memory_space<vmem>>) target(%dma_start3A_383 : memref<8x7808xf32, #tpu.memory_space<hbm>>) target_semaphore(%dma_start3A_382 : memref<!tpu.dma_semaphore, #tpu.memory_space<semaphore_mem>>)
    %add3A_384 = arith.constant 93696 : i32
    %add3A_385 = arith.addi %multiple_of3A_7, %add3A_384 : i32
    %dma_wait3A_386 = arith.constant 0 : i32
    %dma_wait3A_387 = tpu.memref_slice %arg3[%multiple_of3A, %add3A_385] : memref<32x1000000xf32, #tpu.memory_space<hbm>> -> memref<8x7808xf32, #tpu.memory_space<hbm>>
    %dma_wait3A_388 = tpu.memref_slice %arg8[%dma_wait3A_386] : memref<2x!tpu.dma_semaphore, #tpu.memory_space<semaphore_mem>> -> memref<1x!tpu.dma_semaphore, #tpu.memory_space<semaphore_mem>>
    %dma_wait3A_389 = tpu.memref_squeeze %dma_wait3A_388 : memref<1x!tpu.dma_semaphore, #tpu.memory_space<semaphore_mem>> -> memref<!tpu.dma_semaphore, #tpu.memory_space<semaphore_mem>>
    %dma_wait3A_390 = tpu.memref_slice %arg3[%multiple_of3A, %add3A_385] : memref<32x1000000xf32, #tpu.memory_space<hbm>> -> memref<8x7808xf32, #tpu.memory_space<hbm>>
    tpu.wait_dma2 semaphore(%dma_wait3A_389 : memref<!tpu.dma_semaphore, #tpu.memory_space<semaphore_mem>>) src(%arg4 : memref<8x7808xf32, #tpu.memory_space<vmem>>) dst(%dma_wait3A_390 : memref<8x7808xf32, #tpu.memory_space<hbm>>)
    %add3A_391 = arith.constant 109312 : i32
    %add3A_392 = arith.addi %multiple_of3A_7, %add3A_391 : i32
    %dma_start3A_393 = arith.constant 0 : i32
    %dma_start3A_394 = tpu.memref_slice %arg2[%multiple_of3A, %add3A_392] : memref<32x1000000xf32, #tpu.memory_space<hbm>> -> memref<8x7808xf32, #tpu.memory_space<hbm>>
    %dma_start3A_395 = tpu.memref_slice %arg7[%dma_start3A_393] : memref<2x!tpu.dma_semaphore, #tpu.memory_space<semaphore_mem>> -> memref<1x!tpu.dma_semaphore, #tpu.memory_space<semaphore_mem>>
    %dma_start3A_396 = tpu.memref_squeeze %dma_start3A_395 : memref<1x!tpu.dma_semaphore, #tpu.memory_space<semaphore_mem>> -> memref<!tpu.dma_semaphore, #tpu.memory_space<semaphore_mem>>
    %dma_start3A_397 = tpu.memref_slice %arg2[%multiple_of3A, %add3A_392] : memref<32x1000000xf32, #tpu.memory_space<hbm>> -> memref<8x7808xf32, #tpu.memory_space<hbm>>
    tpu.enqueue_dma source(%dma_start3A_397 : memref<8x7808xf32, #tpu.memory_space<hbm>>) target(%arg4 : memref<8x7808xf32, #tpu.memory_space<vmem>>) target_semaphore(%dma_start3A_396 : memref<!tpu.dma_semaphore, #tpu.memory_space<semaphore_mem>>)
    %add3A_398 = arith.constant 109312 : i32
    %add3A_399 = arith.addi %multiple_of3A_7, %add3A_398 : i32
    %dma_wait3A_400 = arith.constant 0 : i32
    %dma_wait3A_401 = tpu.memref_slice %arg2[%multiple_of3A, %add3A_399] : memref<32x1000000xf32, #tpu.memory_space<hbm>> -> memref<8x7808xf32, #tpu.memory_space<hbm>>
    %dma_wait3A_402 = tpu.memref_slice %arg7[%dma_wait3A_400] : memref<2x!tpu.dma_semaphore, #tpu.memory_space<semaphore_mem>> -> memref<1x!tpu.dma_semaphore, #tpu.memory_space<semaphore_mem>>
    %dma_wait3A_403 = tpu.memref_squeeze %dma_wait3A_402 : memref<1x!tpu.dma_semaphore, #tpu.memory_space<semaphore_mem>> -> memref<!tpu.dma_semaphore, #tpu.memory_space<semaphore_mem>>
    %dma_wait3A_404 = tpu.memref_slice %arg2[%multiple_of3A, %add3A_399] : memref<32x1000000xf32, #tpu.memory_space<hbm>> -> memref<8x7808xf32, #tpu.memory_space<hbm>>
    tpu.wait_dma2 semaphore(%dma_wait3A_403 : memref<!tpu.dma_semaphore, #tpu.memory_space<semaphore_mem>>) src(%dma_wait3A_404 : memref<8x7808xf32, #tpu.memory_space<hbm>>) dst(%arg4 : memref<8x7808xf32, #tpu.memory_space<vmem>>)
    %add3A_405 = arith.constant 109312 : i32
    %add3A_406 = arith.addi %multiple_of3A_7, %add3A_405 : i32
    %dma_start3A_407 = arith.constant 0 : i32
    %dma_start3A_408 = tpu.memref_slice %arg3[%multiple_of3A, %add3A_406] : memref<32x1000000xf32, #tpu.memory_space<hbm>> -> memref<8x7808xf32, #tpu.memory_space<hbm>>
    %dma_start3A_409 = tpu.memref_slice %arg8[%dma_start3A_407] : memref<2x!tpu.dma_semaphore, #tpu.memory_space<semaphore_mem>> -> memref<1x!tpu.dma_semaphore, #tpu.memory_space<semaphore_mem>>
    %dma_start3A_410 = tpu.memref_squeeze %dma_start3A_409 : memref<1x!tpu.dma_semaphore, #tpu.memory_space<semaphore_mem>> -> memref<!tpu.dma_semaphore, #tpu.memory_space<semaphore_mem>>
    %dma_start3A_411 = tpu.memref_slice %arg3[%multiple_of3A, %add3A_406] : memref<32x1000000xf32, #tpu.memory_space<hbm>> -> memref<8x7808xf32, #tpu.memory_space<hbm>>
    tpu.enqueue_dma source(%arg4 : memref<8x7808xf32, #tpu.memory_space<vmem>>) target(%dma_start3A_411 : memref<8x7808xf32, #tpu.memory_space<hbm>>) target_semaphore(%dma_start3A_410 : memref<!tpu.dma_semaphore, #tpu.memory_space<semaphore_mem>>)
    %add3A_412 = arith.constant 101504 : i32
    %add3A_413 = arith.addi %multiple_of3A_7, %add3A_412 : i32
    %dma_wait3A_414 = arith.constant 1 : i32
    %dma_wait3A_415 = tpu.memref_slice %arg3[%multiple_of3A, %add3A_413] : memref<32x1000000xf32, #tpu.memory_space<hbm>> -> memref<8x7808xf32, #tpu.memory_space<hbm>>
    %dma_wait3A_416 = tpu.memref_slice %arg8[%dma_wait3A_414] : memref<2x!tpu.dma_semaphore, #tpu.memory_space<semaphore_mem>> -> memref<1x!tpu.dma_semaphore, #tpu.memory_space<semaphore_mem>>
    %dma_wait3A_417 = tpu.memref_squeeze %dma_wait3A_416 : memref<1x!tpu.dma_semaphore, #tpu.memory_space<semaphore_mem>> -> memref<!tpu.dma_semaphore, #tpu.memory_space<semaphore_mem>>
    %dma_wait3A_418 = tpu.memref_slice %arg3[%multiple_of3A, %add3A_413] : memref<32x1000000xf32, #tpu.memory_space<hbm>> -> memref<8x7808xf32, #tpu.memory_space<hbm>>
    tpu.wait_dma2 semaphore(%dma_wait3A_417 : memref<!tpu.dma_semaphore, #tpu.memory_space<semaphore_mem>>) src(%arg5 : memref<8x7808xf32, #tpu.memory_space<vmem>>) dst(%dma_wait3A_418 : memref<8x7808xf32, #tpu.memory_space<hbm>>)
    %add3A_419 = arith.constant 117120 : i32
    %add3A_420 = arith.addi %multiple_of3A_7, %add3A_419 : i32
    %dma_start3A_421 = arith.constant 1 : i32
    %dma_start3A_422 = tpu.memref_slice %arg2[%multiple_of3A, %add3A_420] : memref<32x1000000xf32, #tpu.memory_space<hbm>> -> memref<8x7808xf32, #tpu.memory_space<hbm>>
    %dma_start3A_423 = tpu.memref_slice %arg7[%dma_start3A_421] : memref<2x!tpu.dma_semaphore, #tpu.memory_space<semaphore_mem>> -> memref<1x!tpu.dma_semaphore, #tpu.memory_space<semaphore_mem>>
    %dma_start3A_424 = tpu.memref_squeeze %dma_start3A_423 : memref<1x!tpu.dma_semaphore, #tpu.memory_space<semaphore_mem>> -> memref<!tpu.dma_semaphore, #tpu.memory_space<semaphore_mem>>
    %dma_start3A_425 = tpu.memref_slice %arg2[%multiple_of3A, %add3A_420] : memref<32x1000000xf32, #tpu.memory_space<hbm>> -> memref<8x7808xf32, #tpu.memory_space<hbm>>
    tpu.enqueue_dma source(%dma_start3A_425 : memref<8x7808xf32, #tpu.memory_space<hbm>>) target(%arg5 : memref<8x7808xf32, #tpu.memory_space<vmem>>) target_semaphore(%dma_start3A_424 : memref<!tpu.dma_semaphore, #tpu.memory_space<semaphore_mem>>)
    %add3A_426 = arith.constant 117120 : i32
    %add3A_427 = arith.addi %multiple_of3A_7, %add3A_426 : i32
    %dma_wait3A_428 = arith.constant 1 : i32
    %dma_wait3A_429 = tpu.memref_slice %arg2[%multiple_of3A, %add3A_427] : memref<32x1000000xf32, #tpu.memory_space<hbm>> -> memref<8x7808xf32, #tpu.memory_space<hbm>>
    %dma_wait3A_430 = tpu.memref_slice %arg7[%dma_wait3A_428] : memref<2x!tpu.dma_semaphore, #tpu.memory_space<semaphore_mem>> -> memref<1x!tpu.dma_semaphore, #tpu.memory_space<semaphore_mem>>
    %dma_wait3A_431 = tpu.memref_squeeze %dma_wait3A_430 : memref<1x!tpu.dma_semaphore, #tpu.memory_space<semaphore_mem>> -> memref<!tpu.dma_semaphore, #tpu.memory_space<semaphore_mem>>
    %dma_wait3A_432 = tpu.memref_slice %arg2[%multiple_of3A, %add3A_427] : memref<32x1000000xf32, #tpu.memory_space<hbm>> -> memref<8x7808xf32, #tpu.memory_space<hbm>>
    tpu.wait_dma2 semaphore(%dma_wait3A_431 : memref<!tpu.dma_semaphore, #tpu.memory_space<semaphore_mem>>) src(%dma_wait3A_432 : memref<8x7808xf32, #tpu.memory_space<hbm>>) dst(%arg5 : memref<8x7808xf32, #tpu.memory_space<vmem>>)
    %add3A_433 = arith.constant 117120 : i32
    %add3A_434 = arith.addi %multiple_of3A_7, %add3A_433 : i32
    %dma_start3A_435 = arith.constant 1 : i32
    %dma_start3A_436 = tpu.memref_slice %arg3[%multiple_of3A, %add3A_434] : memref<32x1000000xf32, #tpu.memory_space<hbm>> -> memref<8x7808xf32, #tpu.memory_space<hbm>>
    %dma_start3A_437 = tpu.memref_slice %arg8[%dma_start3A_435] : memref<2x!tpu.dma_semaphore, #tpu.memory_space<semaphore_mem>> -> memref<1x!tpu.dma_semaphore, #tpu.memory_space<semaphore_mem>>
    %dma_start3A_438 = tpu.memref_squeeze %dma_start3A_437 : memref<1x!tpu.dma_semaphore, #tpu.memory_space<semaphore_mem>> -> memref<!tpu.dma_semaphore, #tpu.memory_space<semaphore_mem>>
    %dma_start3A_439 = tpu.memref_slice %arg3[%multiple_of3A, %add3A_434] : memref<32x1000000xf32, #tpu.memory_space<hbm>> -> memref<8x7808xf32, #tpu.memory_space<hbm>>
    tpu.enqueue_dma source(%arg5 : memref<8x7808xf32, #tpu.memory_space<vmem>>) target(%dma_start3A_439 : memref<8x7808xf32, #tpu.memory_space<hbm>>) target_semaphore(%dma_start3A_438 : memref<!tpu.dma_semaphore, #tpu.memory_space<semaphore_mem>>)
    %add3A_440 = arith.constant 109312 : i32
    %add3A_441 = arith.addi %multiple_of3A_7, %add3A_440 : i32
    %dma_wait3A_442 = arith.constant 0 : i32
    %dma_wait3A_443 = tpu.memref_slice %arg3[%multiple_of3A, %add3A_441] : memref<32x1000000xf32, #tpu.memory_space<hbm>> -> memref<8x7808xf32, #tpu.memory_space<hbm>>
    %dma_wait3A_444 = tpu.memref_slice %arg8[%dma_wait3A_442] : memref<2x!tpu.dma_semaphore, #tpu.memory_space<semaphore_mem>> -> memref<1x!tpu.dma_semaphore, #tpu.memory_space<semaphore_mem>>
    %dma_wait3A_445 = tpu.memref_squeeze %dma_wait3A_444 : memref<1x!tpu.dma_semaphore, #tpu.memory_space<semaphore_mem>> -> memref<!tpu.dma_semaphore, #tpu.memory_space<semaphore_mem>>
    %dma_wait3A_446 = tpu.memref_slice %arg3[%multiple_of3A, %add3A_441] : memref<32x1000000xf32, #tpu.memory_space<hbm>> -> memref<8x7808xf32, #tpu.memory_space<hbm>>
    tpu.wait_dma2 semaphore(%dma_wait3A_445 : memref<!tpu.dma_semaphore, #tpu.memory_space<semaphore_mem>>) src(%arg4 : memref<8x7808xf32, #tpu.memory_space<vmem>>) dst(%dma_wait3A_446 : memref<8x7808xf32, #tpu.memory_space<hbm>>)
    %add3A_447 = arith.constant 117120 : i32
    %add3A_448 = arith.addi %multiple_of3A_7, %add3A_447 : i32
    %dma_wait3A_449 = arith.constant 1 : i32
    %dma_wait3A_450 = tpu.memref_slice %arg3[%multiple_of3A, %add3A_448] : memref<32x1000000xf32, #tpu.memory_space<hbm>> -> memref<8x7808xf32, #tpu.memory_space<hbm>>
    %dma_wait3A_451 = tpu.memref_slice %arg8[%dma_wait3A_449] : memref<2x!tpu.dma_semaphore, #tpu.memory_space<semaphore_mem>> -> memref<1x!tpu.dma_semaphore, #tpu.memory_space<semaphore_mem>>
    %dma_wait3A_452 = tpu.memref_squeeze %dma_wait3A_451 : memref<1x!tpu.dma_semaphore, #tpu.memory_space<semaphore_mem>> -> memref<!tpu.dma_semaphore, #tpu.memory_space<semaphore_mem>>
    %dma_wait3A_453 = tpu.memref_slice %arg3[%multiple_of3A, %add3A_448] : memref<32x1000000xf32, #tpu.memory_space<hbm>> -> memref<8x7808xf32, #tpu.memory_space<hbm>>
    tpu.wait_dma2 semaphore(%dma_wait3A_452 : memref<!tpu.dma_semaphore, #tpu.memory_space<semaphore_mem>>) src(%arg5 : memref<8x7808xf32, #tpu.memory_space<vmem>>) dst(%dma_wait3A_453 : memref<8x7808xf32, #tpu.memory_space<hbm>>)
    %eq3A = arith.constant 0 : i32
    %eq3A_454 = arith.cmpi eq, %div3A_2, %eq3A : i32
    %convert_element_type3A = arith.extui %eq3A_454 : i1 to i32
    %cond3A = arith.constant 0 : i32
    %cond3A_455 = arith.cmpi ne, %convert_element_type3A, %cond3A : i32
    scf.if %cond3A_455 {
      %dma_start3A_456 = arith.constant 999424 : i32
      %dma_start3A_457 = tpu.memref_slice %arg2[%multiple_of3A, %dma_start3A_456] : memref<32x1000000xf32, #tpu.memory_space<hbm>> -> memref<8x576xf32, #tpu.memory_space<hbm>>
      %dma_start3A_458 = arith.constant 999424 : i32
      %dma_start3A_459 = tpu.memref_slice %arg2[%multiple_of3A, %dma_start3A_458] : memref<32x1000000xf32, #tpu.memory_space<hbm>> -> memref<8x576xf32, #tpu.memory_space<hbm>>
      tpu.enqueue_dma source(%dma_start3A_459 : memref<8x576xf32, #tpu.memory_space<hbm>>) target(%arg6 : memref<8x576xf32, #tpu.memory_space<vmem>>) target_semaphore(%arg9 : memref<!tpu.dma_semaphore, #tpu.memory_space<semaphore_mem>>)
      %dma_wait3A_460 = arith.constant 999424 : i32
      %dma_wait3A_461 = tpu.memref_slice %arg2[%multiple_of3A, %dma_wait3A_460] : memref<32x1000000xf32, #tpu.memory_space<hbm>> -> memref<8x576xf32, #tpu.memory_space<hbm>>
      %dma_wait3A_462 = arith.constant 999424 : i32
      %dma_wait3A_463 = tpu.memref_slice %arg2[%multiple_of3A, %dma_wait3A_462] : memref<32x1000000xf32, #tpu.memory_space<hbm>> -> memref<8x576xf32, #tpu.memory_space<hbm>>
      tpu.wait_dma2 semaphore(%arg9 : memref<!tpu.dma_semaphore, #tpu.memory_space<semaphore_mem>>) src(%dma_wait3A_463 : memref<8x576xf32, #tpu.memory_space<hbm>>) dst(%arg6 : memref<8x576xf32, #tpu.memory_space<vmem>>)
      %dma_start3A_464 = arith.constant 999424 : i32
      %dma_start3A_465 = tpu.memref_slice %arg3[%multiple_of3A, %dma_start3A_464] : memref<32x1000000xf32, #tpu.memory_space<hbm>> -> memref<8x576xf32, #tpu.memory_space<hbm>>
      %dma_start3A_466 = arith.constant 999424 : i32
      %dma_start3A_467 = tpu.memref_slice %arg3[%multiple_of3A, %dma_start3A_466] : memref<32x1000000xf32, #tpu.memory_space<hbm>> -> memref<8x576xf32, #tpu.memory_space<hbm>>
      tpu.enqueue_dma source(%arg6 : memref<8x576xf32, #tpu.memory_space<vmem>>) target(%dma_start3A_467 : memref<8x576xf32, #tpu.memory_space<hbm>>) target_semaphore(%arg9 : memref<!tpu.dma_semaphore, #tpu.memory_space<semaphore_mem>>)
      %dma_wait3A_468 = arith.constant 999424 : i32
      %dma_wait3A_469 = tpu.memref_slice %arg3[%multiple_of3A, %dma_wait3A_468] : memref<32x1000000xf32, #tpu.memory_space<hbm>> -> memref<8x576xf32, #tpu.memory_space<hbm>>
      %dma_wait3A_470 = arith.constant 999424 : i32
      %dma_wait3A_471 = tpu.memref_slice %arg3[%multiple_of3A, %dma_wait3A_470] : memref<32x1000000xf32, #tpu.memory_space<hbm>> -> memref<8x576xf32, #tpu.memory_space<hbm>>
      tpu.wait_dma2 semaphore(%arg9 : memref<!tpu.dma_semaphore, #tpu.memory_space<semaphore_mem>>) src(%arg6 : memref<8x576xf32, #tpu.memory_space<vmem>>) dst(%dma_wait3A_471 : memref<8x576xf32, #tpu.memory_space<hbm>>)
    } else {
    }
    return
  }
}

</mosaic_0001>

<sc_bundles>
// kernel: kernel.3.cloned.1.call-start
scs
__scs_entry_jumppad:
0x0: {  	(pc) =	sbr.rel $0x88, $3  }
0x1: {  	(tag) =	ssettag $0x0;
	lr =	simm.s32 $0x1  }
0x2: {  	[smem:$0x3FA0] =	sst lr;
	_ =	strace $0xD0000000  }
0x3: {  	_ = 	snop  }
0x4: {  	_ = 	snop  }
0x5: {  	_ = 	snop  }
0x6: {  	_ = 	snop  }
0x7: {  	_ = 	snop  }
__scs_overlays_trampoline_lowered:
0x8: {  	[smem:$0x3FAF] =	sst s0  }
0x9: {  	[smem:$0x3FB0] =	sst s1  }
0xa: {  	[smem:$0x3FB1] =	sst s2  }
0xb: {  	[smem:$0x3FB2] =	sst s3  }
0xc: {  	[smem:$0x3FB3] =	sst s4  }
0xd: {  	[smem:$0x3FB4] =	sst s5  }
0xe: {  	[smem:$0x3FB5] =	sst s6  }
0xf: {  	[smem:$0x3FB6] =	sst s7  }
0x10: {  	[smem:$0x3FB7] =	sst s8  }
0x11: {  	[smem:$0x3FB8] =	sst s9;
	s0 =	simm.s32 @!p0 $0x0  }
0x12: {  	s1 =	sld [smem:$0x3F9E];
	s0 =	simm.s32 @p0 $0x1  }
0x13: {  	[smem:$0x3FB9] =	sst s0;
	s0 =	simm.s32 @!p1 $0x0  }
0x14: {  	s2 =	sld [smem:$0x3F9D];
	s0 =	simm.s32 @p1 $0x1  }
0x15: {  	[smem:$0x3FBA] =	sst s0;
	s0 =	simm.s32 @!p2 $0x0  }
0x16: {  	s3 =	sld [smem:$0x3FDB];
	s0 =	simm.s32 @p2 $0x1  }
0x17: {  	s4 =	simm.s32 $0x1BF5;
	[smem:$0x3FBC] =	sst s0  }
0x18: {  	s0 =	sld [smem:$0x3F9F];
	_ =	swait.ge [sflag:s4], $0x0  }
0x19: {  	s7 =	sld [smem:$0x3FA0]  }
0x1a: {  	s8 =	sadd.s32 $0xFFFFE003, lr  }
0x1b: {  	s9 =	sadd.s32 $0xFFFFFEF7, lr;
	s5 =	simm.s32 $0xFFFFFFFF;
	p2 =	slt.u32 s8, $0xFFFFF086  }
0x1c: {  	p1 =	slt.u32 s9, $0xF7A;
	s5 =	simm.s32 @!p2 $0x0  }
0x1d: {  	s5 =	simm.s32 @p1 $0x1;
	p0 =	seq.s32 s7, s2  }
0x1e: {  	s7 =	smul.u32 @!p0 $0xF7A, s2;
	p2 =	seq.s32 @!p0 s5, $0x0  }
0x1f: {  	s9 =	smul.u32 $0xF7A, s1;
	s8 =	simm.s32 @!p0 $0x1BF5;
	p2 =	por !p2, p0  }
0x20: {  	[sflag:s8] =	ssyncset.s32 @!p0 $0xFFFFF086;
	s6 =	sadd.s32 @!p0 s3, s7;
	s7 =	simm.s32 @!p0 $0x108  }
0x21: {  	s3 =	sadd.s32 s3, s9;
	s6 =	sadd.s32 @!p0 $0x88, s6;
	s7 =	simm.s32 @p2 $0x1082  }
0x22: {  	[simem:s7], [sflag:s8] =	dma.local @!p0 [hbm:s6], $0xF7A  }
0x23: {  	s9 =	sor.u32 $0xD0000000, s2;
	s6 =	simm.s32 $0x108;
	_ =	swait.ge @!p0 [sflag:s8], $0x0  }
0x24: {  	s3 =	sadd.s32 $0x88, s3;
	s6 =	simm.s32 @!p1 $0x1082;
	[sflag:s4] =	ssyncset.s32 $0xFFFFF086  }
0x25: {  	[simem:s6], [sflag:s4] =	dma.local [hbm:s3], $0xF7A  }
0x26: {  	[smem:$0x3FA0] =	sst s1;
	(tag) =	ssettag s2;
	_ =	strace s9  }
0x27: {  	s1 =	sld [smem:$0x3FB0]  }
0x28: {  	s2 =	sld [smem:$0x3FB1]  }
0x29: {  	s4 =	sld [smem:$0x3FB3]  }
0x2a: {  	p0 =	seq.s32 s5, $0x0;
	s5 =	sld [smem:$0x3FB4]  }
0x2b: {  	s6 =	sld [smem:$0x3FB5]  }
0x2c: {  	s7 =	sld [smem:$0x3FB6]  }
0x2d: {  	s3 =	simm.s32 $0x108;
	s8 =	sld [smem:$0x3FB7]  }
0x2e: {  	s3 =	simm.s32 @!p0 $0x1082;
	s9 =	sld [smem:$0x3FB8]  }
0x2f: {  	lr =	sadd.s32 s0, s3;
	s0 =	sld [smem:$0x3FAF]  }
0x30: {  	s3 =	sld [smem:$0x3FB2]  }
0x31: {  	[smem:$0x3FBB] =	sst s10  }
0x32: {  	s10 =	sld [smem:$0x3FB9];
	_ =	sdelay $0x3  }
0x33: {  	p0 =	seq.s32 s10, $0x1;
	s10 =	sld [smem:$0x3FBB];
	_ =	sdelay $0x3  }
0x34: {  	[smem:$0x3FBB] =	sst s10  }
0x35: {  	s10 =	sld [smem:$0x3FBA];
	_ =	sdelay $0x3  }
0x36: {  	p1 =	seq.s32 s10, $0x1;
	s10 =	sld [smem:$0x3FBB];
	_ =	sdelay $0x3  }
0x37: {  	[smem:$0x3FBB] =	sst s10  }
0x38: {  	s10 =	sld [smem:$0x3FBC]  }
0x39: {  	_ = 	snop;
	(pc) =	sbr.ind lr, $3  }
0x3a: {  	_ = 	snop  }
0x3b: {  	_ = 	snop  }
0x3c: {  	p2 =	seq.s32 s10, $0x1;
	s10 =	sld [smem:$0x3FBB]  }
0x3d: {  	_ =	shalt  }
0x3e: {  	_ =	shalt  }
0x3f: {  	_ =	shalt  }
0x40: {  	_ =	shalt  }
0x41: {  	_ =	shalt  }
0x42: {  	_ =	shalt  }
0x43: {  	_ =	shalt  }
0x44: {  	_ =	shalt  }
0x45: {  	_ =	shalt  }
0x46: {  	_ =	shalt  }
0x47: {  	_ =	shalt  }
0x48: {  	_ =	shalt  }
0x49: {  	_ =	shalt  }
0x4a: {  	_ =	shalt  }
0x4b: {  	_ =	shalt  }
0x4c: {  	_ =	shalt  }
0x4d: {  	_ =	shalt  }
0x4e: {  	_ =	shalt  }
0x4f: {  	_ =	shalt  }
0x50: {  	_ =	shalt  }
0x51: {  	_ =	shalt  }
0x52: {  	_ =	shalt  }
0x53: {  	_ =	shalt  }
0x54: {  	_ =	shalt  }
0x55: {  	_ =	shalt  }
0x56: {  	_ =	shalt  }
0x57: {  	_ =	shalt  }
0x58: {  	_ =	shalt  }
0x59: {  	_ =	shalt  }
0x5a: {  	_ =	shalt  }
0x5b: {  	_ =	shalt  }
0x5c: {  	_ =	shalt  }
0x5d: {  	_ =	shalt  }
0x5e: {  	_ =	shalt  }
0x5f: {  	_ =	shalt  }
0x60: {  	_ =	shalt  }
0x61: {  	_ =	shalt  }
0x62: {  	_ =	shalt  }
0x63: {  	_ =	shalt  }
0x64: {  	_ =	shalt  }
0x65: {  	_ =	shalt  }
0x66: {  	_ =	shalt  }
0x67: {  	_ =	shalt  }
0x68: {  	_ =	shalt  }
0x69: {  	_ =	shalt  }
0x6a: {  	_ =	shalt  }
0x6b: {  	_ =	shalt  }
0x6c: {  	_ =	shalt  }
0x6d: {  	_ =	shalt  }
0x6e: {  	_ =	shalt  }
0x6f: {  	_ =	shalt  }
0x70: {  	_ =	shalt  }
0x71: {  	_ =	shalt  }
0x72: {  	_ =	shalt  }
0x73: {  	_ =	shalt  }
0x74: {  	_ =	shalt  }
0x75: {  	_ =	shalt  }
0x76: {  	_ =	shalt  }
0x77: {  	_ =	shalt  }
0x78: {  	_ =	shalt  }
0x79: {  	_ =	shalt  }
0x7a: {  	_ =	shalt  }
0x7b: {  	_ =	shalt  }
0x7c: {  	_ =	shalt  }
0x7d: {  	_ =	shalt  }
0x7e: {  	_ =	shalt  }
0x7f: {  	_ =	shalt  }
0x80: {  	_ =	shalt  }
0x81: {  	_ =	shalt  }
0x82: {  	_ =	shalt  }
0x83: {  	_ =	shalt  }
0x84: {  	_ =	shalt  }
0x85: {  	_ =	shalt  }
0x86: {  	_ =	shalt  }
0x87: {  	_ =	shalt  }
.Lfunc_end0:
.L_simem_size_0:
called_computation_lowered:
.L_overlay_start_0:
0x88: {  	s2 =	sld [smem:$0x3FD9]  }
0x89: {  	s3 =	sld [smem:$0x3FFE];
	_ =	sdelay $0x1  }
0x8a: {  	s1 =	srdreg.scid  }
0x8b: {  	s0 =	sand.u32 $0x1, s1  }
0x8c: {  	s18 =	sshll.u32 s0, $0xA;
	s2 =	sadd.s32 s3, s2  }
0x8d: {  	s2 =	sadd.s32 s2, s18  }
0x8e: {  	[smem:$0x3FC7] =	sst s2  }
0x8f: {  	_ = 	snop  }
0x90: {  	s2 =	sld [smem:$0x3FC9]  }
0x91: {  	s19 =	sld [smem:$0x3FD0];
	(tm) =	ssettm $0x1  }
0x92: {  	s4 =	sld [smem:$0x3FFB];
	_ =	sdelay $0x3  }
0x93: {  	_ =	strace s4  }
0x94: {  	s4 =	sld [smem:$0x3FFC];
	_ =	sdelay $0x3  }
0x95: {  	_ =	strace s4  }
0x96: {  	s4 =	sld [smem:$0x3FFD];
	_ =	sdelay $0x3  }
0x97: {  	_ =	strace s4  }
0x98: {  	_ =	strace $0x8FFFFFFF  }
0x99: {  	s20 =	sld [smem:$0x3FDB];
	_ =	sdelay $0x1  }
0x9a: {  	s5 =	simm.s32 $_scs_section_size  }
0x9b: {  	s6 =	simm.s32 $_size__tile_overlayer_lowered;
	s7 =	simm.s32 $_tile_overlayer_lowered  }
0x9c: {  	s23 =	simm.s32 $0x1BFF;
	s22 =	sshll.u32 s7, $0x1;
	s4 =	sadd.s32 s5, s20  }
0x9d: {  	s8 =	simm.s32 $0x0;
	s21 =	sshll.u32 s6, $0x1;
	s6 =	sadd.s32 s22, s4  }
0x9e: {  	[timem:s8], [sflag:s23] =	dma.local [hbm:s6], s21  }
0x9f: {  	_ =	swait.ge [sflag:s23], s21  }
0xa0: {  	s5 =	ssub.s32 $0x0, s21;
	[sflag:s23] =	ssyncset.done $0x0  }
0xa1: {  	[sflag:s23] =	ssyncadd.s32 s5;
	_ =	sdelay $0x1  }
0xa2: {  	s24 =	simm.s32 $0x1B8B  }
0xa3: {  	_ =	swait.ge [sflag:s24], $0x1  }
0xa4: {  	[sflag:s24] =	ssyncset.done $0x0  }
0xa5: {  	s25 =	simm.s32 $0x1B8E;
	[sflag:s24] =	ssyncadd.s32 $0xFFFFFFFF  }
0xa6: {  	s26 =	simm.s32 $execute0_lowered;
	[smem:$0x3FD2] =	sst s25  }
0xa7: {  	s5 =	sshll.u32 s26, $0x1;
	_ =	strace $0x80000046;
	[dreg:$0x1] =	wrdreg $0xFFFFFFFF  }
0xa8: {  	s28 =	simm.s32 $_size_execute0_lowered;
	s4 =	sadd.s32 s4, s5;
	[dreg:$0x0] =	wrdreg $0x0  }
0xa9: {  	s5 =	sshll.u32 s28, $0x1;
	[dreg:$0x2] =	wrdreg s4  }
0xaa: {  	[dreg:$0x3] =	wrdreg s5  }
0xab: {  	[dreg:$0x4] =	wrdreg $0xC0  }
0xac: {  	_ =	task [dreg:s8], $0x5FFFF  }
0xad: {  	[dreg:$0x1] =	wrdreg $0xFFFFFFFF  }
0xae: {  	[dreg:$0x0] =	wrdreg $0x60  }
0xaf: {  	[dreg:$0x2] =	wrdreg s2  }
0xb0: {  	[dreg:$0x3] =	wrdreg s19  }
0xb1: {  	[dreg:$0x4] =	wrdreg $0x9  }
0xb2: {  	_ =	task.clear_ibuf [dreg:s8], $0x5FFFF;
	_ =	strace $0x90000046  }
0xb3: {  	s29 =	simm.s32 $0x9;
	_ =	strace $0x80000048  }
0xb4: {  	_ =	swait.ge [sflag:s29], $0x1  }
0xb5: {  	[sflag:s29] =	ssyncadd.s32 $0xFFFFFFFF  }
0xb6: {  	_ =	strace $0x90000048  }
0xb7: {  	_ =	sfence  }
0xb8: {  	s30 =	sld [smem:$0x0];
	_ =	sdelay $0x2  }
0xb9: {  	s31 =	sshll.u32 s1, $0xD;
	s1 =	sshrl.u32 s1, $0x2  }
0xba: {  	s3 =	sand.u32 $0x4000, s31;
	s1 =	sadd.s32 s1, s30  }
0xbb: {  	s0 =	sor.u32 s3, s0;
	s1 =	sshll.u32 s1, $0x11  }
0xbc: {  	s0 =	sor.u32 s1, s0  }
0xbd: {  	s0 =	sadd.s32 $0x8F2B, s0  }
0xbe: {  	[sflag:s0] =	ssyncadd.remote.s32 $0x1  }
0xbf: {  	_ =	sfence.sel $0xFFFF  }
0xc0: {  	[dreg:$0x0] =	wrdreg $0xFFFFFFFF;
	(pc) =	sbr.abs _section_cstart, $3  }
0xc1: {  	[dreg:$0x1] =	wrdreg $0xFFFFFFFF  }
0xc2: {  	_ =	task.clear_ibuf [dreg:s8], $0x2FFFF;
	_ =	strace $0x9FFFFFFF  }
0xc3: {  	(tm) =	ssettm $0x7FFFFFFF  }
tec
execute0_lowered:
.L_overlay_start_1:
0x0: {  	(tag) =	ssettag $0x1  }
0x1: {  	s30 =	stileid.u32  }
0x2: {  	s1 =	srdreg.scid;
	s2 =	sshll.u32 s30, $0x1  }
0x3: {  	s26 =	sand.u32 $0x1, s1;
	s18 =	sshrl.u32 s30, $0x1;
	s17 =	sand.u32 $0x2, s2  }
0x4: {  	s3 =	smul.u32 $0xF4000, s18;
	s1 =	sor.u32 s26, s17  }
0x5: {  	s29 =	smul.u32 $0x7A1400, s1;
	_ =	sdelay $0x1  }
0x6: {  	s28 =	rddreg [dreg:$0x0];
	s2 =	simm.s32 $0x0;
	s3 =	sadd.s32 s3, s29  }
0x7: {  	[smem:$0x7FF] =	sst s2;
	s24 =	sshrl.u32 s3, $0x3  }
0x8: {  	s9 =	rddreg [dreg:$0x1];
	_ =	strace $0x80000047;
	s3 =	sadd.s32 s28, s24  }
0x9: {  	s19 =	sadd.s32 s9, s24;
	s4 =	sadd.s32 $0x1E80, s24;
	[dreg:$0x3] =	wrdreg s3  }
0xa: {  	[dreg:$0x4] =	wrdreg s19;
	s20 =	sadd.s32 s28, s4  }
0xb: {  	s22 =	sadd.s32 $0x3D00, s24;
	s21 =	sadd.s32 s9, s4;
	[dreg:$0x5] =	wrdreg s20  }
0xc: {  	s23 =	sadd.s32 s28, s22;
	[dreg:$0x6] =	wrdreg s21  }
0xd: {  	s0 =	sadd.s32 $0x5B80, s24;
	s25 =	sadd.s32 s9, s22;
	[dreg:$0x7] =	wrdreg s23  }
0xe: {  	s1 =	sadd.s32 s28, s0;
	[dreg:$0x8] =	wrdreg s25  }
0xf: {  	s5 =	sadd.s32 $0x7A00, s24;
	s4 =	sadd.s32 s9, s0;
	[dreg:$0x9] =	wrdreg s1  }
0x10: {  	s6 =	sadd.s32 s28, s5;
	[dreg:$0xa] =	wrdreg s4  }
0x11: {  	s8 =	sadd.s32 $0x9880, s24;
	s7 =	sadd.s32 s9, s5;
	[dreg:$0xb] =	wrdreg s6  }
0x12: {  	s10 =	sadd.s32 s28, s8;
	[dreg:$0xc] =	wrdreg s7  }
0x13: {  	s11 =	sadd.s32 s9, s8;
	[dreg:$0xd] =	wrdreg s10  }
0x14: {  	s12 =	sadd.s32 $0xB700, s24;
	[dreg:$0xe] =	wrdreg s11  }
0x15: {  	s13 =	sadd.s32 s28, s12;
	s5 =	rddreg [dreg:$0x3]  }
0x16: {  	s3 =	sadd.s32 s9, s12;
	[dreg:$0xf] =	wrdreg s13  }
0x17: {  	[dreg:$0x10] =	wrdreg s3;
	s3 =	simm.s32 $0x1  }
0x18: {  	[tilespmem:s2], [sflag:$0x1] =	stream.linear.gather [hbm4b:s5+s2], $0xF400, $0x38;
	[tilespmem:$0x1FC00] =	vst v63  }
0x19: {  	_ =	swait.ge [sflag:s3], $0xF400  }
0x1a: {  	[sflag:s3] =	ssyncset.done $0x0  }
0x1b: {  	s14 =	rddreg [dreg:$0x4];
	[sflag:s3] =	ssyncadd.s32 $0xFFFF0C00  }
0x1c: {  	[hbm4b:s14+s2] =	stream.linear.scatter [tilespmem:s2], [sflag:$0x3], $0xF400, $0x38;
	[tilespmem:$0x1FC00] =	vst v63  }
0x1d: {  	s4 =	simm.s32 $0xF400;
	s5 =	simm.s32 $0x2;
	s6 =	rddreg [dreg:$0x5]  }
0x1e: {  	[tilespmem:s4], [sflag:$0x2] =	stream.linear.gather [hbm4b:s6+s2], $0xF400, $0x38;
	[tilespmem:$0x1FC00] =	vst v63  }
0x1f: {  	_ =	swait.ge [sflag:s5], $0xF400  }
0x20: {  	[sflag:s5] =	ssyncset.done $0x0  }
0x21: {  	s6 =	simm.s32 $0x3;
	s7 =	rddreg [dreg:$0x6];
	[sflag:s5] =	ssyncadd.s32 $0xFFFF0C00  }
0x22: {  	[hbm4b:s7+s2] =	stream.linear.scatter [tilespmem:s4], [sflag:$0x4], $0xF400, $0x38;
	[tilespmem:$0x1FC00] =	vst v63  }
0x23: {  	_ =	swait.ge [sflag:s6], $0xF400  }
0x24: {  	[sflag:s6] =	ssyncset.done $0x0  }
0x25: {  	s15 =	rddreg [dreg:$0x7];
	[sflag:s6] =	ssyncadd.s32 $0xFFFF0C00  }
0x26: {  	[tilespmem:s2], [sflag:$0x1] =	stream.linear.gather [hbm4b:s15+s2], $0xF400, $0x38;
	[tilespmem:$0x1FC00] =	vst v63  }
0x27: {  	_ =	swait.ge [sflag:s3], $0xF400  }
0x28: {  	[sflag:s3] =	ssyncset.done $0x0  }
0x29: {  	s7 =	simm.s32 $0x4;
	s8 =	rddreg [dreg:$0x8];
	[sflag:s3] =	ssyncadd.s32 $0xFFFF0C00  }
0x2a: {  	[hbm4b:s8+s2] =	stream.linear.scatter [tilespmem:s2], [sflag:$0x3], $0xF400, $0x38;
	[tilespmem:$0x1FC00] =	vst v63  }
0x2b: {  	_ =	swait.ge [sflag:s7], $0xF400  }
0x2c: {  	[sflag:s7] =	ssyncset.done $0x0  }
0x2d: {  	s16 =	rddreg [dreg:$0x9];
	[sflag:s7] =	ssyncadd.s32 $0xFFFF0C00  }
0x2e: {  	[tilespmem:s4], [sflag:$0x2] =	stream.linear.gather [hbm4b:s16+s2], $0xF400, $0x38;
	[tilespmem:$0x1FC00] =	vst v63  }
0x2f: {  	_ =	swait.ge [sflag:s5], $0xF400  }
0x30: {  	[sflag:s5] =	ssyncset.done $0x0  }
0x31: {  	s17 =	rddreg [dreg:$0xa];
	[sflag:s5] =	ssyncadd.s32 $0xFFFF0C00  }
0x32: {  	[hbm4b:s17+s2] =	stream.linear.scatter [tilespmem:s4], [sflag:$0x4], $0xF400, $0x38;
	[tilespmem:$0x1FC00] =	vst v63  }
0x33: {  	_ =	swait.ge [sflag:s6], $0xF400  }
0x34: {  	[sflag:s6] =	ssyncset.done $0x0  }
0x35: {  	s18 =	rddreg [dreg:$0xb];
	[sflag:s6] =	ssyncadd.s32 $0xFFFF0C00  }
0x36: {  	[tilespmem:s2], [sflag:$0x1] =	stream.linear.gather [hbm4b:s18+s2], $0xF400, $0x38;
	[tilespmem:$0x1FC00] =	vst v63  }
0x37: {  	_ =	swait.ge [sflag:s3], $0xF400  }
0x38: {  	[sflag:s3] =	ssyncset.done $0x0  }
0x39: {  	s19 =	rddreg [dreg:$0xc];
	[sflag:s3] =	ssyncadd.s32 $0xFFFF0C00  }
0x3a: {  	[hbm4b:s19+s2] =	stream.linear.scatter [tilespmem:s2], [sflag:$0x3], $0xF400, $0x38;
	[tilespmem:$0x1FC00] =	vst v63  }
0x3b: {  	_ =	swait.ge [sflag:s7], $0xF400  }
0x3c: {  	[sflag:s7] =	ssyncset.done $0x0  }
0x3d: {  	s20 =	rddreg [dreg:$0xd];
	[sflag:s7] =	ssyncadd.s32 $0xFFFF0C00  }
0x3e: {  	[tilespmem:s4], [sflag:$0x2] =	stream.linear.gather [hbm4b:s20+s2], $0xF400, $0x38;
	[tilespmem:$0x1FC00] =	vst v63  }
0x3f: {  	_ =	swait.ge [sflag:s5], $0xF400  }
0x40: {  	[sflag:s5] =	ssyncset.done $0x0  }
0x41: {  	s21 =	rddreg [dreg:$0xe];
	[sflag:s5] =	ssyncadd.s32 $0xFFFF0C00  }
0x42: {  	[hbm4b:s21+s2] =	stream.linear.scatter [tilespmem:s4], [sflag:$0x4], $0xF400, $0x38;
	[tilespmem:$0x1FC00] =	vst v63  }
0x43: {  	_ =	swait.ge [sflag:s6], $0xF400  }
0x44: {  	[sflag:s6] =	ssyncset.done $0x0  }
0x45: {  	s22 =	rddreg [dreg:$0xf];
	[sflag:s6] =	ssyncadd.s32 $0xFFFF0C00  }
0x46: {  	[tilespmem:s2], [sflag:$0x1] =	stream.linear.gather [hbm4b:s22+s2], $0xF400, $0x38;
	[tilespmem:$0x1FC00] =	vst v63  }
0x47: {  	_ =	swait.ge [sflag:s3], $0xF400  }
0x48: {  	[sflag:s3] =	ssyncset.done $0x0  }
0x49: {  	s23 =	rddreg [dreg:$0x10];
	[sflag:s3] =	ssyncadd.s32 $0xFFFF0C00  }
0x4a: {  	[hbm4b:s23+s2] =	stream.linear.scatter [tilespmem:s2], [sflag:$0x3], $0xF400, $0x38;
	[tilespmem:$0x1FC00] =	vst v63  }
0x4b: {  	s0 =	sadd.s32 $0xD580, s24;
	_ =	swait.ge [sflag:s7], $0xF400  }
0x4c: {  	s25 =	sadd.s32 s28, s0;
	[sflag:s7] =	ssyncset.done $0x0  }
0x4d: {  	[dreg:$0x11] =	wrdreg s25;
	[sflag:s7] =	ssyncadd.s32 $0xFFFF0C00  }
0x4e: {  	[tilespmem:s4], [sflag:$0x2] =	stream.linear.gather [hbm4b:s25+s2], $0xF400, $0x38;
	[tilespmem:$0x1FC00] =	vst v63  }
0x4f: {  	_ =	swait.ge [sflag:s5], $0xF400  }
0x50: {  	[sflag:s5] =	ssyncset.done $0x0  }
0x51: {  	s0 =	sadd.s32 s9, s0;
	[sflag:s5] =	ssyncadd.s32 $0xFFFF0C00  }
0x52: {  	[hbm4b:s0+s2] =	stream.linear.scatter [tilespmem:s4], [sflag:$0x4], $0xF400, $0x38;
	[tilespmem:$0x1FC00] =	vst v63  }
0x53: {  	_ =	swait.ge [sflag:s6], $0xF400  }
0x54: {  	s11 =	sadd.s32 $0xF400, s24;
	[sflag:s6] =	ssyncset.done $0x0  }
0x55: {  	s10 =	sadd.s32 s28, s11;
	[sflag:s6] =	ssyncadd.s32 $0xFFFF0C00  }
0x56: {  	[tilespmem:s2], [sflag:$0x1] =	stream.linear.gather [hbm4b:s10+s2], $0xF400, $0x38;
	[tilespmem:$0x1FC00] =	vst v63  }
0x57: {  	_ =	swait.ge [sflag:s3], $0xF400  }
0x58: {  	s8 =	smov.u32 s9;
	[sflag:s3] =	ssyncset.done $0x0  }
0x59: {  	s11 =	sadd.s32 s8, s11;
	[sflag:s3] =	ssyncadd.s32 $0xFFFF0C00  }
0x5a: {  	[hbm4b:s11+s2] =	stream.linear.scatter [tilespmem:s2], [sflag:$0x3], $0xF400, $0x38;
	[tilespmem:$0x1FC00] =	vst v63  }
0x5b: {  	_ =	swait.ge [sflag:s7], $0xF400  }
0x5c: {  	s13 =	sadd.s32 $0x11280, s24;
	[sflag:s7] =	ssyncset.done $0x0  }
0x5d: {  	s12 =	sadd.s32 s28, s13;
	[sflag:s7] =	ssyncadd.s32 $0xFFFF0C00  }
0x5e: {  	[tilespmem:s4], [sflag:$0x2] =	stream.linear.gather [hbm4b:s12+s2], $0xF400, $0x38;
	[tilespmem:$0x1FC00] =	vst v63  }
0x5f: {  	_ =	swait.ge [sflag:s5], $0xF400  }
0x60: {  	[sflag:s5] =	ssyncset.done $0x0  }
0x61: {  	s13 =	sadd.s32 s8, s13;
	[sflag:s5] =	ssyncadd.s32 $0xFFFF0C00  }
0x62: {  	[hbm4b:s13+s2] =	stream.linear.scatter [tilespmem:s4], [sflag:$0x4], $0xF400, $0x38;
	[tilespmem:$0x1FC00] =	vst v63  }
0x63: {  	_ =	swait.ge [sflag:s6], $0xF400  }
0x64: {  	s15 =	sadd.s32 $0x13100, s24;
	[sflag:s6] =	ssyncset.done $0x0  }
0x65: {  	s14 =	sadd.s32 s28, s15;
	[sflag:s6] =	ssyncadd.s32 $0xFFFF0C00  }
0x66: {  	[tilespmem:s2], [sflag:$0x1] =	stream.linear.gather [hbm4b:s14+s2], $0xF400, $0x38;
	[tilespmem:$0x1FC00] =	vst v63  }
0x67: {  	_ =	swait.ge [sflag:s3], $0xF400  }
0x68: {  	[sflag:s3] =	ssyncset.done $0x0  }
0x69: {  	s15 =	sadd.s32 s8, s15;
	[sflag:s3] =	ssyncadd.s32 $0xFFFF0C00  }
0x6a: {  	[hbm4b:s15+s2] =	stream.linear.scatter [tilespmem:s2], [sflag:$0x3], $0xF400, $0x38;
	[tilespmem:$0x1FC00] =	vst v63  }
0x6b: {  	_ =	swait.ge [sflag:s7], $0xF400  }
0x6c: {  	s17 =	sadd.s32 $0x14F80, s24;
	[sflag:s7] =	ssyncset.done $0x0  }
0x6d: {  	s16 =	sadd.s32 s28, s17;
	[sflag:s7] =	ssyncadd.s32 $0xFFFF0C00  }
0x6e: {  	[tilespmem:s4], [sflag:$0x2] =	stream.linear.gather [hbm4b:s16+s2], $0xF400, $0x38;
	[tilespmem:$0x1FC00] =	vst v63  }
0x6f: {  	_ =	swait.ge [sflag:s5], $0xF400  }
0x70: {  	[sflag:s5] =	ssyncset.done $0x0  }
0x71: {  	s17 =	sadd.s32 s8, s17;
	[sflag:s5] =	ssyncadd.s32 $0xFFFF0C00  }
0x72: {  	[hbm4b:s17+s2] =	stream.linear.scatter [tilespmem:s4], [sflag:$0x4], $0xF400, $0x38;
	[tilespmem:$0x1FC00] =	vst v63  }
0x73: {  	_ =	swait.ge [sflag:s6], $0xF400  }
0x74: {  	s19 =	sadd.s32 $0x16E00, s24;
	[sflag:s6] =	ssyncset.done $0x0  }
0x75: {  	s18 =	sadd.s32 s28, s19;
	[sflag:s6] =	ssyncadd.s32 $0xFFFF0C00  }
0x76: {  	[tilespmem:s2], [sflag:$0x1] =	stream.linear.gather [hbm4b:s18+s2], $0xF400, $0x38;
	[tilespmem:$0x1FC00] =	vst v63  }
0x77: {  	_ =	swait.ge [sflag:s3], $0xF400  }
0x78: {  	[sflag:s3] =	ssyncset.done $0x0  }
0x79: {  	s19 =	sadd.s32 s8, s19;
	[sflag:s3] =	ssyncadd.s32 $0xFFFF0C00  }
0x7a: {  	[hbm4b:s19+s2] =	stream.linear.scatter [tilespmem:s2], [sflag:$0x3], $0xF400, $0x38;
	[tilespmem:$0x1FC00] =	vst v63  }
0x7b: {  	_ =	swait.ge [sflag:s7], $0xF400  }
0x7c: {  	s21 =	sadd.s32 $0x18C80, s24;
	[sflag:s7] =	ssyncset.done $0x0  }
0x7d: {  	s20 =	sadd.s32 s28, s21;
	[sflag:s7] =	ssyncadd.s32 $0xFFFF0C00  }
0x7e: {  	[tilespmem:s4], [sflag:$0x2] =	stream.linear.gather [hbm4b:s20+s2], $0xF400, $0x38;
	[tilespmem:$0x1FC00] =	vst v63  }
0x7f: {  	_ =	swait.ge [sflag:s5], $0xF400  }
0x80: {  	[sflag:s5] =	ssyncset.done $0x0  }
0x81: {  	s21 =	sadd.s32 s8, s21;
	[sflag:s5] =	ssyncadd.s32 $0xFFFF0C00  }
0x82: {  	[hbm4b:s21+s2] =	stream.linear.scatter [tilespmem:s4], [sflag:$0x4], $0xF400, $0x38;
	[tilespmem:$0x1FC00] =	vst v63  }
0x83: {  	_ =	swait.ge [sflag:s6], $0xF400  }
0x84: {  	s23 =	sadd.s32 $0x1AB00, s24;
	[sflag:s6] =	ssyncset.done $0x0  }
0x85: {  	s22 =	sadd.s32 s28, s23;
	[sflag:s6] =	ssyncadd.s32 $0xFFFF0C00  }
0x86: {  	[tilespmem:s2], [sflag:$0x1] =	stream.linear.gather [hbm4b:s22+s2], $0xF400, $0x38;
	[tilespmem:$0x1FC00] =	vst v63  }
0x87: {  	_ =	swait.ge [sflag:s3], $0xF400  }
0x88: {  	[sflag:s3] =	ssyncset.done $0x0  }
0x89: {  	s23 =	sadd.s32 s8, s23;
	[sflag:s3] =	ssyncadd.s32 $0xFFFF0C00  }
0x8a: {  	[hbm4b:s23+s2] =	stream.linear.scatter [tilespmem:s2], [sflag:$0x3], $0xF400, $0x38;
	[tilespmem:$0x1FC00] =	vst v63  }
0x8b: {  	_ =	swait.ge [sflag:s7], $0xF400  }
0x8c: {  	s25 =	sadd.s32 $0x1C980, s24;
	[sflag:s7] =	ssyncset.done $0x0  }
0x8d: {  	s24 =	sadd.s32 s28, s25;
	[sflag:s7] =	ssyncadd.s32 $0xFFFF0C00  }
0x8e: {  	[tilespmem:s4], [sflag:$0x2] =	stream.linear.gather [hbm4b:s24+s2], $0xF400, $0x38;
	[tilespmem:$0x1FC00] =	vst v63  }
0x8f: {  	_ =	swait.ge [sflag:s5], $0xF400  }
0x90: {  	s31 =	ssub.s32 $0x2, s26;
	[sflag:s5] =	ssyncset.done $0x0  }
0x91: {  	s1 =	sshrl.u32 s31, $0x1;
	s25 =	sadd.s32 s8, s25;
	[sflag:s5] =	ssyncadd.s32 $0xFFFF0C00  }
0x92: {  	[hbm4b:s25+s2] =	stream.linear.scatter [tilespmem:s4], [sflag:$0x4], $0xF400, $0x38;
	[tilespmem:$0x1FC00] =	vst v63  }
0x93: {  	p0 =	sgt.u32 s30, $0x1;
	s1 =	ssub.s32 s31, s1;
	_ =	swait.ge [sflag:s6], $0xF400  }
0x94: {  	s30 =	simm.s32 @!p0 $0x1E800;
	s1 =	smax.u32 s1, $0x1;
	[sflag:s6] =	ssyncset.done $0x0  }
0x95: {  	s29 =	sshrl.u32 s29, $0x3;
	s1 =	sadd.s32 $0xFFFFFFFF, s1;
	[sflag:s6] =	ssyncadd.s32 $0xFFFF0C00  }
0x96: {  	p1 =	sne.s32 s1, $0x0;
	s9 =	smov.u32 s0;
	_ =	swait.ge [sflag:s7], $0xF400  }
0x97: {  	s0 =	sadd.s32 $0xF4000, s29;
	s29 =	simm.s32 @!p0 $0x0;
	[sflag:s7] =	ssyncset.done $0x0  }
0x98: {  	s26 =	sadd.s32 s28, s0;
	s28 =	simm.s32 @!p0 $0x5;
	[sflag:s7] =	ssyncadd.s32 $0xFFFF0C00  }
0x99: {  	[tilespmem:s30], [sflag:$0x5] =	stream.linear.gather @!p0 [hbm4b:s26+s29], $0x1400, $0x38;
	[tilespmem:$0x1FC00] =	vst v63  }
.Ltmp0:
0x9a: {  	_ =	swait.ge @!p0 [sflag:s28], $0x1400;
	(pc) =	sbr.rel @!p1 .LBB2_2-.Ltmp0, $4  }
0x9b: {  	[sflag:s28] =	ssyncset.done @!p0 $0x0  }
0x9c: {  	s31 =	sadd.s32 s8, s0;
	[sflag:s28] =	ssyncadd.s32 @!p0 $0xFFFFEC00  }
0x9d: {  	[hbm4b:s31+s29] =	stream.linear.scatter @!p0 [tilespmem:s30], [sflag:$0x5], $0x1400, $0x38;
	[tilespmem:$0x1FC00] =	vst v63  }
0x9e: {  	_ =	swait.ge @!p0 [sflag:s28], $0x1400  }
.LBB2_1:
0x9f: {  	[sflag:s28] =	ssyncset.done @!p0 $0x0  }
0xa0: {  	s0 =	rddreg [dreg:$0x3];
	[sflag:s28] =	ssyncadd.s32 @!p0 $0xFFFFEC00  }
0xa1: {  	[tilespmem:s2], [sflag:$0x1] =	stream.linear.gather [hbm4b:s0+s2], $0xF400, $0x38;
	[tilespmem:$0x1FC00] =	vst v63  }
0xa2: {  	_ =	swait.ge [sflag:s3], $0xF400  }
0xa3: {  	[sflag:s3] =	ssyncset.done $0x0  }
0xa4: {  	s0 =	rddreg [dreg:$0x4];
	[sflag:s3] =	ssyncadd.s32 $0xFFFF0C00  }
0xa5: {  	[hbm4b:s0+s2] =	stream.linear.scatter [tilespmem:s2], [sflag:$0x3], $0xF400, $0x38;
	[tilespmem:$0x1FC00] =	vst v63  }
0xa6: {  	s8 =	rddreg [dreg:$0x5]  }
0xa7: {  	[tilespmem:s4], [sflag:$0x2] =	stream.linear.gather [hbm4b:s8+s2], $0xF400, $0x38;
	[tilespmem:$0x1FC00] =	vst v63  }
0xa8: {  	_ =	swait.ge [sflag:s5], $0xF400  }
0xa9: {  	[sflag:s5] =	ssyncset.done $0x0  }
0xaa: {  	s8 =	rddreg [dreg:$0x6];
	[sflag:s5] =	ssyncadd.s32 $0xFFFF0C00  }
0xab: {  	[hbm4b:s8+s2] =	stream.linear.scatter [tilespmem:s4], [sflag:$0x4], $0xF400, $0x38;
	[tilespmem:$0x1FC00] =	vst v63  }
0xac: {  	_ =	swait.ge [sflag:s6], $0xF400  }
0xad: {  	[sflag:s6] =	ssyncset.done $0x0  }
0xae: {  	s8 =	rddreg [dreg:$0x7];
	[sflag:s6] =	ssyncadd.s32 $0xFFFF0C00  }
0xaf: {  	[tilespmem:s2], [sflag:$0x1] =	stream.linear.gather [hbm4b:s8+s2], $0xF400, $0x38;
	[tilespmem:$0x1FC00] =	vst v63  }
0xb0: {  	_ =	swait.ge [sflag:s3], $0xF400  }
0xb1: {  	[sflag:s3] =	ssyncset.done $0x0  }
0xb2: {  	s8 =	rddreg [dreg:$0x8];
	[sflag:s3] =	ssyncadd.s32 $0xFFFF0C00  }
0xb3: {  	[hbm4b:s8+s2] =	stream.linear.scatter [tilespmem:s2], [sflag:$0x3], $0xF400, $0x38;
	[tilespmem:$0x1FC00] =	vst v63  }
0xb4: {  	_ =	swait.ge [sflag:s7], $0xF400  }
0xb5: {  	[sflag:s7] =	ssyncset.done $0x0  }
0xb6: {  	s8 =	rddreg [dreg:$0x9];
	[sflag:s7] =	ssyncadd.s32 $0xFFFF0C00  }
0xb7: {  	[tilespmem:s4], [sflag:$0x2] =	stream.linear.gather [hbm4b:s8+s2], $0xF400, $0x38;
	[tilespmem:$0x1FC00] =	vst v63  }
0xb8: {  	_ =	swait.ge [sflag:s5], $0xF400  }
0xb9: {  	[sflag:s5] =	ssyncset.done $0x0  }
0xba: {  	s8 =	rddreg [dreg:$0xa];
	[sflag:s5] =	ssyncadd.s32 $0xFFFF0C00  }
0xbb: {  	[hbm4b:s8+s2] =	stream.linear.scatter [tilespmem:s4], [sflag:$0x4], $0xF400, $0x38;
	[tilespmem:$0x1FC00] =	vst v63  }
0xbc: {  	_ =	swait.ge [sflag:s6], $0xF400  }
0xbd: {  	[sflag:s6] =	ssyncset.done $0x0  }
0xbe: {  	s8 =	rddreg [dreg:$0xb];
	[sflag:s6] =	ssyncadd.s32 $0xFFFF0C00  }
0xbf: {  	[tilespmem:s2], [sflag:$0x1] =	stream.linear.gather [hbm4b:s8+s2], $0xF400, $0x38;
	[tilespmem:$0x1FC00] =	vst v63  }
0xc0: {  	_ =	swait.ge [sflag:s3], $0xF400  }
0xc1: {  	[sflag:s3] =	ssyncset.done $0x0  }
0xc2: {  	s8 =	rddreg [dreg:$0xc];
	[sflag:s3] =	ssyncadd.s32 $0xFFFF0C00  }
0xc3: {  	[hbm4b:s8+s2] =	stream.linear.scatter [tilespmem:s2], [sflag:$0x3], $0xF400, $0x38;
	[tilespmem:$0x1FC00] =	vst v63  }
0xc4: {  	_ =	swait.ge [sflag:s7], $0xF400  }
0xc5: {  	[sflag:s7] =	ssyncset.done $0x0  }
0xc6: {  	s8 =	rddreg [dreg:$0xd];
	[sflag:s7] =	ssyncadd.s32 $0xFFFF0C00  }
0xc7: {  	[tilespmem:s4], [sflag:$0x2] =	stream.linear.gather [hbm4b:s8+s2], $0xF400, $0x38;
	[tilespmem:$0x1FC00] =	vst v63  }
0xc8: {  	_ =	swait.ge [sflag:s5], $0xF400  }
0xc9: {  	[sflag:s5] =	ssyncset.done $0x0  }
0xca: {  	s8 =	rddreg [dreg:$0xe];
	[sflag:s5] =	ssyncadd.s32 $0xFFFF0C00  }
0xcb: {  	[hbm4b:s8+s2] =	stream.linear.scatter [tilespmem:s4], [sflag:$0x4], $0xF400, $0x38;
	[tilespmem:$0x1FC00] =	vst v63  }
0xcc: {  	_ =	swait.ge [sflag:s6], $0xF400  }
0xcd: {  	[sflag:s6] =	ssyncset.done $0x0  }
0xce: {  	s8 =	rddreg [dreg:$0xf];
	[sflag:s6] =	ssyncadd.s32 $0xFFFF0C00  }
0xcf: {  	[tilespmem:s2], [sflag:$0x1] =	stream.linear.gather [hbm4b:s8+s2], $0xF400, $0x38;
	[tilespmem:$0x1FC00] =	vst v63  }
0xd0: {  	_ =	swait.ge [sflag:s3], $0xF400  }
0xd1: {  	[sflag:s3] =	ssyncset.done $0x0  }
0xd2: {  	s8 =	rddreg [dreg:$0x10];
	[sflag:s3] =	ssyncadd.s32 $0xFFFF0C00  }
0xd3: {  	[hbm4b:s8+s2] =	stream.linear.scatter [tilespmem:s2], [sflag:$0x3], $0xF400, $0x38;
	[tilespmem:$0x1FC00] =	vst v63  }
0xd4: {  	_ =	swait.ge [sflag:s7], $0xF400  }
0xd5: {  	[sflag:s7] =	ssyncset.done $0x0  }
0xd6: {  	s8 =	rddreg [dreg:$0x11];
	[sflag:s7] =	ssyncadd.s32 $0xFFFF0C00  }
0xd7: {  	[tilespmem:s4], [sflag:$0x2] =	stream.linear.gather [hbm4b:s8+s2], $0xF400, $0x38;
	[tilespmem:$0x1FC00] =	vst v63  }
0xd8: {  	_ =	swait.ge [sflag:s5], $0xF400  }
0xd9: {  	[sflag:s5] =	ssyncset.done $0x0  }
0xda: {  	[sflag:s5] =	ssyncadd.s32 $0xFFFF0C00  }
0xdb: {  	[hbm4b:s9+s2] =	stream.linear.scatter [tilespmem:s4], [sflag:$0x4], $0xF400, $0x38;
	[tilespmem:$0x1FC00] =	vst v63  }
0xdc: {  	_ =	swait.ge [sflag:s6], $0xF400  }
0xdd: {  	[sflag:s6] =	ssyncset.done $0x0  }
0xde: {  	[sflag:s6] =	ssyncadd.s32 $0xFFFF0C00  }
0xdf: {  	[tilespmem:s2], [sflag:$0x1] =	stream.linear.gather [hbm4b:s10+s2], $0xF400, $0x38;
	[tilespmem:$0x1FC00] =	vst v63  }
0xe0: {  	_ =	swait.ge [sflag:s3], $0xF400  }
0xe1: {  	[sflag:s3] =	ssyncset.done $0x0  }
0xe2: {  	[sflag:s3] =	ssyncadd.s32 $0xFFFF0C00  }
0xe3: {  	[hbm4b:s11+s2] =	stream.linear.scatter [tilespmem:s2], [sflag:$0x3], $0xF400, $0x38;
	[tilespmem:$0x1FC00] =	vst v63  }
0xe4: {  	_ =	swait.ge [sflag:s7], $0xF400  }
0xe5: {  	[sflag:s7] =	ssyncset.done $0x0  }
0xe6: {  	[sflag:s7] =	ssyncadd.s32 $0xFFFF0C00  }
0xe7: {  	[tilespmem:s4], [sflag:$0x2] =	stream.linear.gather [hbm4b:s12+s2], $0xF400, $0x38;
	[tilespmem:$0x1FC00] =	vst v63  }
0xe8: {  	_ =	swait.ge [sflag:s5], $0xF400  }
0xe9: {  	[sflag:s5] =	ssyncset.done $0x0  }
0xea: {  	[sflag:s5] =	ssyncadd.s32 $0xFFFF0C00  }
0xeb: {  	[hbm4b:s13+s2] =	stream.linear.scatter [tilespmem:s4], [sflag:$0x4], $0xF400, $0x38;
	[tilespmem:$0x1FC00] =	vst v63  }
0xec: {  	_ =	swait.ge [sflag:s6], $0xF400  }
0xed: {  	[sflag:s6] =	ssyncset.done $0x0  }
0xee: {  	[sflag:s6] =	ssyncadd.s32 $0xFFFF0C00  }
0xef: {  	[tilespmem:s2], [sflag:$0x1] =	stream.linear.gather [hbm4b:s14+s2], $0xF400, $0x38;
	[tilespmem:$0x1FC00] =	vst v63  }
0xf0: {  	_ =	swait.ge [sflag:s3], $0xF400  }
0xf1: {  	[sflag:s3] =	ssyncset.done $0x0  }
0xf2: {  	[sflag:s3] =	ssyncadd.s32 $0xFFFF0C00  }
0xf3: {  	[hbm4b:s15+s2] =	stream.linear.scatter [tilespmem:s2], [sflag:$0x3], $0xF400, $0x38;
	[tilespmem:$0x1FC00] =	vst v63  }
0xf4: {  	_ =	swait.ge [sflag:s7], $0xF400  }
0xf5: {  	[sflag:s7] =	ssyncset.done $0x0  }
0xf6: {  	[sflag:s7] =	ssyncadd.s32 $0xFFFF0C00  }
0xf7: {  	[tilespmem:s4], [sflag:$0x2] =	stream.linear.gather [hbm4b:s16+s2], $0xF400, $0x38;
	[tilespmem:$0x1FC00] =	vst v63  }
0xf8: {  	_ =	swait.ge [sflag:s5], $0xF400  }
0xf9: {  	[sflag:s5] =	ssyncset.done $0x0  }
0xfa: {  	[sflag:s5] =	ssyncadd.s32 $0xFFFF0C00  }
0xfb: {  	[hbm4b:s17+s2] =	stream.linear.scatter [tilespmem:s4], [sflag:$0x4], $0xF400, $0x38;
	[tilespmem:$0x1FC00] =	vst v63  }
0xfc: {  	_ =	swait.ge [sflag:s6], $0xF400  }
0xfd: {  	[sflag:s6] =	ssyncset.done $0x0  }
0xfe: {  	[sflag:s6] =	ssyncadd.s32 $0xFFFF0C00  }
0xff: {  	[tilespmem:s2], [sflag:$0x1] =	stream.linear.gather [hbm4b:s18+s2], $0xF400, $0x38;
	[tilespmem:$0x1FC00] =	vst v63  }
0x100: {  	_ =	swait.ge [sflag:s3], $0xF400  }
0x101: {  	[sflag:s3] =	ssyncset.done $0x0  }
0x102: {  	[sflag:s3] =	ssyncadd.s32 $0xFFFF0C00  }
0x103: {  	[hbm4b:s19+s2] =	stream.linear.scatter [tilespmem:s2], [sflag:$0x3], $0xF400, $0x38;
	[tilespmem:$0x1FC00] =	vst v63  }
0x104: {  	_ =	swait.ge [sflag:s7], $0xF400  }
0x105: {  	[sflag:s7] =	ssyncset.done $0x0  }
0x106: {  	[sflag:s7] =	ssyncadd.s32 $0xFFFF0C00  }
0x107: {  	[tilespmem:s4], [sflag:$0x2] =	stream.linear.gather [hbm4b:s20+s2], $0xF400, $0x38;
	[tilespmem:$0x1FC00] =	vst v63  }
0x108: {  	_ =	swait.ge [sflag:s5], $0xF400  }
0x109: {  	[sflag:s5] =	ssyncset.done $0x0  }
0x10a: {  	[sflag:s5] =	ssyncadd.s32 $0xFFFF0C00  }
0x10b: {  	[hbm4b:s21+s2] =	stream.linear.scatter [tilespmem:s4], [sflag:$0x4], $0xF400, $0x38;
	[tilespmem:$0x1FC00] =	vst v63  }
0x10c: {  	_ =	swait.ge [sflag:s6], $0xF400  }
0x10d: {  	[sflag:s6] =	ssyncset.done $0x0  }
0x10e: {  	[sflag:s6] =	ssyncadd.s32 $0xFFFF0C00  }
0x10f: {  	[tilespmem:s2], [sflag:$0x1] =	stream.linear.gather [hbm4b:s22+s2], $0xF400, $0x38;
	[tilespmem:$0x1FC00] =	vst v63  }
0x110: {  	_ =	swait.ge [sflag:s3], $0xF400  }
0x111: {  	[sflag:s3] =	ssyncset.done $0x0  }
0x112: {  	[sflag:s3] =	ssyncadd.s32 $0xFFFF0C00  }
0x113: {  	[hbm4b:s23+s2] =	stream.linear.scatter [tilespmem:s2], [sflag:$0x3], $0xF400, $0x38;
	[tilespmem:$0x1FC00] =	vst v63  }
0x114: {  	_ =	swait.ge [sflag:s7], $0xF400  }
0x115: {  	[sflag:s7] =	ssyncset.done $0x0  }
0x116: {  	[sflag:s7] =	ssyncadd.s32 $0xFFFF0C00  }
0x117: {  	[tilespmem:s4], [sflag:$0x2] =	stream.linear.gather [hbm4b:s24+s2], $0xF400, $0x38;
	[tilespmem:$0x1FC00] =	vst v63  }
0x118: {  	_ =	swait.ge [sflag:s5], $0xF400  }
0x119: {  	[sflag:s5] =	ssyncset.done $0x0  }
0x11a: {  	[sflag:s5] =	ssyncadd.s32 $0xFFFF0C00  }
0x11b: {  	[hbm4b:s25+s2] =	stream.linear.scatter [tilespmem:s4], [sflag:$0x4], $0xF400, $0x38;
	[tilespmem:$0x1FC00] =	vst v63  }
0x11c: {  	_ =	swait.ge [sflag:s6], $0xF400  }
0x11d: {  	[sflag:s6] =	ssyncset.done $0x0  }
0x11e: {  	[sflag:s6] =	ssyncadd.s32 $0xFFFF0C00  }
0x11f: {  	_ =	swait.ge [sflag:s7], $0xF400  }
0x120: {  	s1 =	sadd.s32 $0xFFFFFFFF, s1;
	[sflag:s7] =	ssyncset.done $0x0  }
0x121: {  	p1 =	sne.s32 s1, $0x0;
	[sflag:s7] =	ssyncadd.s32 $0xFFFF0C00  }
0x122: {  	[tilespmem:s30], [sflag:$0x5] =	stream.linear.gather @!p0 [hbm4b:s26+s29], $0x1400, $0x38;
	[tilespmem:$0x1FC00] =	vst v63  }
.Ltmp1:
0x123: {  	_ =	swait.ge @!p0 [sflag:s28], $0x1400;
	(pc) =	sbr.rel @p1 .LBB2_1-.Ltmp1, $4  }
0x124: {  	[sflag:s28] =	ssyncset.done @!p0 $0x0  }
0x125: {  	[sflag:s28] =	ssyncadd.s32 @!p0 $0xFFFFEC00  }
0x126: {  	[hbm4b:s31+s29] =	stream.linear.scatter @!p0 [tilespmem:s30], [sflag:$0x5], $0x1400, $0x38;
	[tilespmem:$0x1FC00] =	vst v63  }
0x127: {  	_ =	swait.ge @!p0 [sflag:s28], $0x1400  }
.LBB2_2:
0x128: {  	[sflag:s28] =	ssyncset.done @!p0 $0x0  }
0x129: {  	[sflag:s28] =	ssyncadd.s32 @!p0 $0xFFFFEC00  }
0x12a: {  	_ =	sfence.sel $0x180000  }
0x12b: {  	[bflag:$0x0] =	sbarrier.arrive $0xFFFF  }
0x12c: {  	_ =	strace $0x90000047  }
0x12d: {  	s0 =	stileid.u32;
	[bflag:$0x2] =	sbarrier.arrive $0xFFFF  }
0x12e: {  	p0 =	sne.s32 s0, $0x0;
	s0 =	rddreg [dreg:$0x2]  }
0x12f: {  	s0 =	sadd.s32 @!p0 $0x100000, s0  }
0x130: {  	[sflag:s0] =	ssyncadd.tile.s32 @!p0 $0x1;
	_ =	shalt  }
.Lfunc_end2:
_tile_overlayer_lowered:
.L_overlay_start_2:
0x131: {  	(tag) =	ssettag $0x2  }
0x132: {  	s0 =	rddreg [dreg:$0x0];
	s2 =	stileid.u32  }
0x133: {  	s1 =	rddreg [dreg:$0x1];
	p0 =	sne.s32 s2, $0x0  }
0x134: {  	s3 =	rddreg [dreg:$0x2];
	[bflag:$0x3] =	sbarrier.arrive $0xFFFF;
	s2 =	simm.s32 @!p0 $0x1C06  }
0x135: {  	[timem:s3], [sflag:s2] =	dma.local @!p0 [hbm:s0], s1  }
0x136: {  	s0 =	simm.s32 @!p0 $0x6  }
0x137: {  	_ =	swait.ge @!p0 [sflag:s0], s1  }
0x138: {  	s1 =	ssub.s32 @!p0 $0x0, s1;
	[sflag:s0] =	ssyncset.done @!p0 $0x0  }
0x139: {  	[sflag:s0] =	ssyncadd.s32 @!p0 s1  }
0x13a: {  	[bflag:$0x3] =	sbarrier.arrive $0xFFFF  }
0x13b: {  	_ =	shalt  }

</sc_bundles>
